<compile_context>
chip_gen: v7x
topology: tpu7x:2x2x1
jax: 0.10.2.dev20260603
libtpu: 0.0.44.dev20260713+nightly
codegen_flags: <defaults>
</compile_context>

<pallas_src>
import functools

import jax
import jax.numpy as jnp
from jax import lax
from jax.experimental import pallas as pl
from jax.experimental.pallas import tpu as pltpu
from jax.experimental.pallas import tpu_sc as plsc

N_NODES = 100000
D = 256
N_GRAPHS = 1024

N_SC = 64000
TCB = 4000
TCG = (N_NODES - N_SC) // TCB

NC = 2
NS = 16
NW = NC * NS
BLK = 80
HR = 2 * BLK
NBLK = 25
RPW = BLK * NBLK
NBLK_TOT = N_SC // BLK
NBLK_PAD = NW * NBLK
SEG_PAD = 2048
CW = 16
L = 16


NBUF = 5


NBLK_LAST = NBLK_TOT - (NW - 1) * NBLK


def _pool_body(x5_hbm, ids_hbm, idf_hbm,
               out_f, out_c,
               ids_v, idf_v, xbuf0, xbuf1, xbuf2, xbuf3, xbuf4, ones_v,
               acc_f, acc_c,
               lsem0, lsem1, lsem2, lsem3, lsem4,
               ssem0, ssem1, ssem2, ssem3, ssem4):
    c = lax.axis_index("c")
    s = lax.axis_index("s")
    wid = s * NC + c
    nblk = jnp.minimum((N_SC - wid * RPW) // BLK, NBLK)

    fseg0 = s * (SEG_PAD // NS)
    cseg0 = s * (N_GRAPHS // NS)
    bufs = ((xbuf0, lsem0, ssem0), (xbuf1, lsem1, ssem1),
            (xbuf2, lsem2, ssem2), (xbuf3, lsem3, ssem3),
            (xbuf4, lsem4, ssem4))

    for b in range(NBUF - 1):
        @pl.when(b < nblk)
        def _(b=b):
            pltpu.async_copy(x5_hbm.at[pl.ds((wid * NBLK + b) * HR, HR)],
                             bufs[b][0], bufs[b][1])
    zrow = jnp.zeros((16,), jnp.float32)

    @pl.loop(0, SEG_PAD // NS)
    def _z(i):
        for u in range(8):
            xbuf4[i, pl.ds(16 * u, 16)] = zrow

    pltpu.sync_copy(xbuf4.at[pl.ds(0, SEG_PAD // NS)],
                    acc_f.at[pl.ds(fseg0, SEG_PAD // NS)])
    pltpu.sync_copy(xbuf4.at[pl.ds(0, N_GRAPHS // NS), pl.ds(0, CW)],
                    acc_c.at[pl.ds(cseg0, N_GRAPHS // NS)])

    @pl.loop(0, BLK)
    def _ones(i):
        ones_v[i, :] = jnp.ones((CW,), jnp.float32)

    @pl.when(nblk == NBLK)
    def _():
        pltpu.sync_copy(ids_hbm.at[pl.ds(wid * NBLK, NBLK)], ids_v)
        pltpu.sync_copy(idf_hbm.at[pl.ds(wid * 2 * NBLK, 2 * NBLK)], idf_v)

    @pl.when(nblk < NBLK)
    def _():
        pltpu.sync_copy(ids_hbm.at[pl.ds(wid * NBLK, NBLK_LAST)],
                        ids_v.at[pl.ds(0, NBLK_LAST)])
        pltpu.sync_copy(idf_hbm.at[pl.ds(wid * 2 * NBLK, 2 * NBLK_LAST)],
                        idf_v.at[pl.ds(0, 2 * NBLK_LAST)])

    plsc.subcore_barrier()

    def _wait_scats(b):
        xb, _, ssem = bufs[b]
        pltpu.make_async_copy(x5_hbm.at[pl.ds(0, HR)], xb, ssem).wait()
        pltpu.make_async_copy(x5_hbm.at[pl.ds(0, BLK * CW // 128)],
                              xb.at[pl.ds(0, BLK * CW // 128)],
                              ssem).wait()

    @pl.loop(0, NBLK)
    def _blk(j):
        @pl.when(j < nblk)
        def _():
            for b in range(NBUF):
                @pl.when(j % NBUF == b)
                def _(b=b):
                    xb, lsem, ssem = bufs[b]
                    bprev = (b - 1) % NBUF
                    pltpu.make_async_copy(x5_hbm.at[pl.ds(0, HR)],
                                          xb, lsem).wait()
                    pltpu.async_copy(xb.at[pl.ds(0, BLK)],
                                     acc_f.at[idf_v.at[2 * j]], ssem,
                                     add=True)
                    pltpu.async_copy(xb.at[pl.ds(BLK, BLK)],
                                     acc_f.at[idf_v.at[2 * j + 1]], ssem,
                                     add=True)
                    pltpu.async_copy(ones_v, acc_c.at[ids_v.at[j]], ssem,
                                     add=True)
                    @pl.when(j >= 1)
                    def _(b=b):
                        _wait_scats(bprev)

                    @pl.when(j + NBUF - 1 < nblk)
                    def _(b=b):
                        ob, olsem, _ = bufs[bprev]
                        pltpu.async_copy(
                            x5_hbm.at[
                                pl.ds((wid * NBLK + j + NBUF - 1) * HR, HR)],
                            ob, olsem)

    for b in range(NBUF):
        @pl.when((nblk - 1) % NBUF == b)
        def _(b=b):
            _wait_scats(b)

    plsc.subcore_barrier()
    pltpu.sync_copy(acc_f.at[pl.ds(fseg0, SEG_PAD // NS)],
                    out_f.at[c, pl.ds(fseg0, SEG_PAD // NS)])
    pltpu.sync_copy(acc_c.at[pl.ds(cseg0, N_GRAPHS // NS)],
                    out_c.at[c, pl.ds(cseg0, N_GRAPHS // NS)])


_pool = functools.partial(
    pl.kernel,
    out_type=[
        jax.ShapeDtypeStruct((NC, SEG_PAD, 128), jnp.float32),
        jax.ShapeDtypeStruct((NC, N_GRAPHS, CW), jnp.float32),
    ],
    mesh=plsc.VectorSubcoreMesh(core_axis_name="c", subcore_axis_name="s",
                                num_cores=NC, num_subcores=NS),
    compiler_params=pltpu.CompilerParams(use_tc_tiling_on_sc=False),
    scratch_types=[
        pltpu.VMEM((NBLK, BLK), jnp.int32),
        pltpu.VMEM((2 * NBLK, BLK), jnp.int32),
        pltpu.VMEM((HR, 128), jnp.float32),
        pltpu.VMEM((HR, 128), jnp.float32),
        pltpu.VMEM((HR, 128), jnp.float32),
        pltpu.VMEM((HR, 128), jnp.float32),
        pltpu.VMEM((HR, 128), jnp.float32),
        pltpu.VMEM((BLK, CW), jnp.float32),
        pltpu.VMEM_SHARED((SEG_PAD, 128), jnp.float32),
        pltpu.VMEM_SHARED((N_GRAPHS, CW), jnp.float32),
        pltpu.SemaphoreType.DMA,
        pltpu.SemaphoreType.DMA,
        pltpu.SemaphoreType.DMA,
        pltpu.SemaphoreType.DMA,
        pltpu.SemaphoreType.DMA,
        pltpu.SemaphoreType.DMA,
        pltpu.SemaphoreType.DMA,
        pltpu.SemaphoreType.DMA,
        pltpu.SemaphoreType.DMA,
        pltpu.SemaphoreType.DMA,
    ],
)(_pool_body)


def _tcpool_body(idr_ref, xb_ref, out_ref, cnt_ref):
    j = pl.program_id(0)
    ids_blk = idr_ref[0, 0, :]
    iota2 = lax.broadcasted_iota(jnp.int32, (N_GRAPHS, TCB), 0)
    oh = ids_blk[None, :] == iota2
    part = jnp.dot(oh.astype(jnp.bfloat16), xb_ref[...].astype(jnp.bfloat16),
                   preferred_element_type=jnp.float32)
    cnt = jnp.sum(oh.astype(jnp.float32), axis=1, keepdims=True)

    @pl.when(j == 0)
    def _():
        out_ref[...] = part
        cnt_ref[...] = cnt

    @pl.when(j > 0)
    def _():
        out_ref[...] += part
        cnt_ref[...] += cnt


_tcpool = pl.pallas_call(
    _tcpool_body,
    grid=(TCG,),
    in_specs=[
        pl.BlockSpec((1, 1, TCB), lambda j: (j, 0, 0)),
        pl.BlockSpec((TCB, D), lambda j: (N_SC // TCB + j, 0)),
    ],
    out_specs=[
        pl.BlockSpec((N_GRAPHS, D), lambda j: (0, 0)),
        pl.BlockSpec((N_GRAPHS, 1), lambda j: (0, 0)),
    ],
    out_shape=[
        jax.ShapeDtypeStruct((N_GRAPHS, D), jnp.float32),
        jax.ShapeDtypeStruct((N_GRAPHS, 1), jnp.float32),
    ],
)


def _head_body(pf_ref, pc_ref, tcf_ref, tcc_ref, y_ref, w1_ref, b1_ref,
               w2_ref, b2_ref, out_ref):
    sums = pf_ref[0, :, :] + pf_ref[1, :, :] + tcf_ref[...]
    counts = pc_ref[0, :, 0:1] + pc_ref[1, :, 0:1] + tcc_ref[...]
    h_g = sums / jnp.maximum(counts, 1.0)
    h = jnp.dot(h_g, w1_ref[...], preferred_element_type=jnp.float32)
    h = jnp.maximum(h + b1_ref[...], 0.0)
    logit = jnp.dot(h, w2_ref[...], preferred_element_type=jnp.float32)
    logit = logit + b2_ref[...]
    y = y_ref[...]
    per = (jnp.maximum(logit, 0.0) - logit * y
           + jnp.log1p(jnp.exp(-jnp.abs(logit))))
    out_ref[...] = (jnp.sum(per) / float(N_GRAPHS)).reshape(1, 1)


_head = pl.pallas_call(
    _head_body,
    out_shape=jax.ShapeDtypeStruct((1, 1), jnp.float32),
)


def kernel(x, batch, y, W1, b1, W2, b2):
    x5 = (x.reshape(N_NODES // 8, 8, 2, 128)
          .transpose(0, 2, 1, 3)
          .reshape(2 * N_NODES, 128))
    ids = batch.astype(jnp.int32)
    ids_sc = ids[:N_SC]
    bids = ids_sc.reshape(NBLK_TOT, BLK)
    a2 = (ids_sc * 2).reshape(N_SC // 8, 8)
    idf = jnp.concatenate([a2, a2 + 1], axis=1).reshape(2 * NBLK_TOT, BLK)
    bt3 = ids[N_SC:].reshape(TCG, 1, TCB)
    pf, pc = _pool(x5, bids, idf)
    tcf, tcc = _tcpool(bt3, x)
    pf = pf.reshape(NC, N_GRAPHS, D)
    loss = _head(pf, pc, tcf, tcc, y, W1, b1.reshape(1, D),
                 W2, b2.reshape(1, 1))
    return loss[0, 0]

# --- scband reference (transcript-rebuilt; emitter-appended) ---
"""Pipeline reference for scband-unet-pretrain-admet-78262894068352 (READ-ONLY COPY).

The authoritative reference and input builder live on the scoring server;
editing this copy changes nothing except your own understanding.
"""

import jax, jax.numpy as jnp
import numpy as np

N_NODES = 100000
D = 256
N_GRAPHS = 1024


def setup_inputs(seed: int = 0) -> dict:
    key = jax.random.key(seed)
    ks = jax.random.split(key, 8)
    x = jax.random.normal(ks[0], (N_NODES, D), dtype=jnp.float32)
    batch = jnp.sort(jax.random.randint(ks[1], (N_NODES,), 0, N_GRAPHS))
    y = jax.random.uniform(ks[2], (N_GRAPHS, 1), dtype=jnp.float32)
    # HIV cls head: Linear(D, D) -> ReLU -> Linear(D, 1)
    W1 = jax.random.normal(ks[3], (D, D), dtype=jnp.float32) * 0.02
    b1 = jnp.zeros((D,), dtype=jnp.float32)
    W2 = jax.random.normal(ks[4], (D, 1), dtype=jnp.float32) * 0.02
    b2 = jnp.zeros((1,), dtype=jnp.float32)
    return {"x": x, "batch": batch, "y": y, "W1": W1, "b1": b1, "W2": W2, "b2": b2}


def reference(x, batch, y, W1, b1, W2, b2):
    # jk == 'last': x is the last encoder layer's node features.
    # graph_pool == 'mean': global_mean_pool over segment ids (g.batch).
    sums = jax.ops.segment_sum(x, batch, num_segments=N_GRAPHS)
    counts = jax.ops.segment_sum(jnp.ones((x.shape[0],), dtype=x.dtype), batch, num_segments=N_GRAPHS)
    h_g = sums / jnp.clip(counts, 1.0, None)[:, None]
    # predict_dict['HIV']['cls']: Linear -> ReLU -> Linear
    h = jax.nn.relu(h_g @ W1 + b1)
    logit = h @ W2 + b2
    # BCEWithLogitsLoss (mean reduction), numerically stable form
    loss = jnp.mean(jnp.maximum(logit, 0.0) - logit * y + jnp.log1p(jnp.exp(-jnp.abs(logit))))
    return loss

if __name__ == "__main__":
    import jax
    _d = setup_inputs()
    print(jax.jit(kernel)(*tuple(_d.values())))

</pallas_src>

<mosaic_0001>
#map = affine_map<(d0, d1) -> (0, 0)>
#map1 = affine_map<(d0, d1) -> (0, 0, 0)>
module attributes {stable_mosaic.version = 14 : i64} {
  func.func @_pool_body(%arg0: i32, %arg1: i32, %arg2: memref<200000x128xf32, #tpu.memory_space<hbm>>, %arg3: memref<800x80xi32, #tpu.memory_space<hbm>>, %arg4: memref<1600x80xi32, #tpu.memory_space<hbm>>, %arg5: memref<2x2048x128xf32, #tpu.memory_space<hbm>>, %arg6: memref<2x1024x16xf32, #tpu.memory_space<hbm>>, %arg7: memref<25x80xi32, #tpu.memory_space<vmem>>, %arg8: memref<50x80xi32, #tpu.memory_space<vmem>>, %arg9: memref<160x128xf32, #tpu.memory_space<vmem>>, %arg10: memref<160x128xf32, #tpu.memory_space<vmem>>, %arg11: memref<160x128xf32, #tpu.memory_space<vmem>>, %arg12: memref<160x128xf32, #tpu.memory_space<vmem>>, %arg13: memref<160x128xf32, #tpu.memory_space<vmem>>, %arg14: memref<80x16xf32, #tpu.memory_space<vmem>>, %arg15: memref<2048x128xf32, #tpu.memory_space<vmem_shared>>, %arg16: memref<1024x16xf32, #tpu.memory_space<vmem_shared>>, %arg17: memref<!tpu.dma_semaphore, #tpu.memory_space<semaphore_mem>>, %arg18: memref<!tpu.dma_semaphore, #tpu.memory_space<semaphore_mem>>, %arg19: memref<!tpu.dma_semaphore, #tpu.memory_space<semaphore_mem>>, %arg20: memref<!tpu.dma_semaphore, #tpu.memory_space<semaphore_mem>>, %arg21: memref<!tpu.dma_semaphore, #tpu.memory_space<semaphore_mem>>, %arg22: memref<!tpu.dma_semaphore, #tpu.memory_space<semaphore_mem>>, %arg23: memref<!tpu.dma_semaphore, #tpu.memory_space<semaphore_mem>>, %arg24: memref<!tpu.dma_semaphore, #tpu.memory_space<semaphore_mem>>, %arg25: memref<!tpu.dma_semaphore, #tpu.memory_space<semaphore_mem>>, %arg26: memref<!tpu.dma_semaphore, #tpu.memory_space<semaphore_mem>>) attributes {dimension_semantics = [#tpu.dimension_semantics<core_parallel>, #tpu.dimension_semantics<subcore_parallel>], iteration_bounds = array<i64: 2, 16>, scalar_prefetch = 0 : i64, scratch_operands = 20 : i64, tpu.core_type = #tpu.core_type<sc_vector_subcore>, window_params = [{transform_indices = #map}, {transform_indices = #map}, {transform_indices = #map}, {transform_indices = #map1}, {transform_indices = #map1}]} {
    %mul3A = arith.constant 2 : i32
    %mul3A_0 = arith.muli %arg1, %mul3A : i32
    %add3A = arith.addi %mul3A_0, %arg0 : i32
    %mul3A_1 = arith.constant 2000 : i32
    %mul3A_2 = arith.muli %add3A, %mul3A_1 : i32
    %sub3A = arith.constant 64000 : i32
    %sub3A_3 = arith.subi %sub3A, %mul3A_2 : i32
    %jit3A = arith.constant 80 : i32
    %div3A = arith.divsi %sub3A_3, %jit3A : i32
    %sign3A = arith.constant 0 : i32
    %sign3A_4 = arith.cmpi sgt, %sub3A_3, %sign3A : i32
    %sign3A_5 = arith.extui %sign3A_4 : i1 to i32
    %sign3A_6 = arith.constant 0 : i32
    %sign3A_7 = arith.cmpi slt, %sub3A_3, %sign3A_6 : i32
    %sign3A_8 = arith.extui %sign3A_7 : i1 to i32
    %sign3A_9 = arith.subi %sign3A_5, %sign3A_8 : i32
    %sign3A_10 = arith.constant 0 : i32
    %sign3A_11 = arith.cmpi sgt, %jit3A, %sign3A_10 : i32
    %sign3A_12 = arith.extui %sign3A_11 : i1 to i32
    %sign3A_13 = arith.constant 0 : i32
    %sign3A_14 = arith.cmpi slt, %jit3A, %sign3A_13 : i32
    %sign3A_15 = arith.extui %sign3A_14 : i1 to i32
    %sign3A_16 = arith.subi %sign3A_12, %sign3A_15 : i32
    %ne3A = arith.cmpi ne, %sign3A_9, %sign3A_16 : i32
    %rem3A = arith.remsi %sub3A_3, %jit3A : i32
    %ne3A_17 = arith.constant 0 : i32
    %ne3A_18 = arith.cmpi ne, %rem3A, %ne3A_17 : i32
    %and3A = arith.andi %ne3A, %ne3A_18 : i1
    %sub3A_19 = arith.constant 1 : i32
    %sub3A_20 = arith.subi %div3A, %sub3A_19 : i32
    %select_n3A = arith.select %and3A, %sub3A_20, %div3A : i32
    %min3A = arith.constant 25 : i32
    %min3A_21 = arith.minsi %select_n3A, %min3A : i32
    %mul3A_22 = arith.constant 128 : i32
    %mul3A_23 = arith.muli %arg1, %mul3A_22 : i32
    %mul3A_24 = arith.constant 64 : i32
    %mul3A_25 = arith.muli %arg1, %mul3A_24 : i32
    %gt3A = arith.constant 0 : i32
    %gt3A_26 = arith.cmpi sgt, %min3A_21, %gt3A : i32
    %convert_element_type3A = arith.extui %gt3A_26 : i1 to i32
    %cond3A = arith.constant 0 : i32
    %cond3A_27 = arith.cmpi ne, %convert_element_type3A, %cond3A : i32
    scf.if %cond3A_27 {
      %mul3A_182 = arith.constant 25 : i32
      %mul3A_183 = arith.muli %add3A, %mul3A_182 : i32
      %add3A_184 = arith.constant 0 : i32
      %add3A_185 = arith.addi %mul3A_183, %add3A_184 : i32
      %mul3A_186 = arith.constant 160 : i32
      %mul3A_187 = arith.muli %add3A_185, %mul3A_186 : i32
      %dma_start3A = arith.constant 0 : i32
      %dma_start3A_188 = tpu.memref_slice %arg2[%mul3A_187, %dma_start3A] : memref<200000x128xf32, #tpu.memory_space<hbm>> -> memref<160x128xf32, #tpu.memory_space<hbm>>
      %dma_start3A_189 = arith.constant 0 : i32
      %dma_start3A_190 = tpu.memref_slice %arg2[%mul3A_187, %dma_start3A_189] : memref<200000x128xf32, #tpu.memory_space<hbm>> -> memref<160x128xf32, #tpu.memory_space<hbm>>
      tpu.enqueue_dma source(%dma_start3A_190 : memref<160x128xf32, #tpu.memory_space<hbm>>) target(%arg9 : memref<160x128xf32, #tpu.memory_space<vmem>>) target_semaphore(%arg17 : memref<!tpu.dma_semaphore, #tpu.memory_space<semaphore_mem>>)
    } else {
    }
    %gt3A_28 = arith.constant 1 : i32
    %gt3A_29 = arith.cmpi sgt, %min3A_21, %gt3A_28 : i32
    %convert_element_type3A_30 = arith.extui %gt3A_29 : i1 to i32
    %cond3A_31 = arith.constant 0 : i32
    %cond3A_32 = arith.cmpi ne, %convert_element_type3A_30, %cond3A_31 : i32
    scf.if %cond3A_32 {
      %mul3A_182 = arith.constant 25 : i32
      %mul3A_183 = arith.muli %add3A, %mul3A_182 : i32
      %add3A_184 = arith.constant 1 : i32
      %add3A_185 = arith.addi %mul3A_183, %add3A_184 : i32
      %mul3A_186 = arith.constant 160 : i32
      %mul3A_187 = arith.muli %add3A_185, %mul3A_186 : i32
      %dma_start3A = arith.constant 0 : i32
      %dma_start3A_188 = tpu.memref_slice %arg2[%mul3A_187, %dma_start3A] : memref<200000x128xf32, #tpu.memory_space<hbm>> -> memref<160x128xf32, #tpu.memory_space<hbm>>
      %dma_start3A_189 = arith.constant 0 : i32
      %dma_start3A_190 = tpu.memref_slice %arg2[%mul3A_187, %dma_start3A_189] : memref<200000x128xf32, #tpu.memory_space<hbm>> -> memref<160x128xf32, #tpu.memory_space<hbm>>
      tpu.enqueue_dma source(%dma_start3A_190 : memref<160x128xf32, #tpu.memory_space<hbm>>) target(%arg10 : memref<160x128xf32, #tpu.memory_space<vmem>>) target_semaphore(%arg18 : memref<!tpu.dma_semaphore, #tpu.memory_space<semaphore_mem>>)
    } else {
    }
    %gt3A_33 = arith.constant 2 : i32
    %gt3A_34 = arith.cmpi sgt, %min3A_21, %gt3A_33 : i32
    %convert_element_type3A_35 = arith.extui %gt3A_34 : i1 to i32
    %cond3A_36 = arith.constant 0 : i32
    %cond3A_37 = arith.cmpi ne, %convert_element_type3A_35, %cond3A_36 : i32
    scf.if %cond3A_37 {
      %mul3A_182 = arith.constant 25 : i32
      %mul3A_183 = arith.muli %add3A, %mul3A_182 : i32
      %add3A_184 = arith.constant 2 : i32
      %add3A_185 = arith.addi %mul3A_183, %add3A_184 : i32
      %mul3A_186 = arith.constant 160 : i32
      %mul3A_187 = arith.muli %add3A_185, %mul3A_186 : i32
      %dma_start3A = arith.constant 0 : i32
      %dma_start3A_188 = tpu.memref_slice %arg2[%mul3A_187, %dma_start3A] : memref<200000x128xf32, #tpu.memory_space<hbm>> -> memref<160x128xf32, #tpu.memory_space<hbm>>
      %dma_start3A_189 = arith.constant 0 : i32
      %dma_start3A_190 = tpu.memref_slice %arg2[%mul3A_187, %dma_start3A_189] : memref<200000x128xf32, #tpu.memory_space<hbm>> -> memref<160x128xf32, #tpu.memory_space<hbm>>
      tpu.enqueue_dma source(%dma_start3A_190 : memref<160x128xf32, #tpu.memory_space<hbm>>) target(%arg11 : memref<160x128xf32, #tpu.memory_space<vmem>>) target_semaphore(%arg19 : memref<!tpu.dma_semaphore, #tpu.memory_space<semaphore_mem>>)
    } else {
    }
    %gt3A_38 = arith.constant 3 : i32
    %gt3A_39 = arith.cmpi sgt, %min3A_21, %gt3A_38 : i32
    %convert_element_type3A_40 = arith.extui %gt3A_39 : i1 to i32
    %cond3A_41 = arith.constant 0 : i32
    %cond3A_42 = arith.cmpi ne, %convert_element_type3A_40, %cond3A_41 : i32
    scf.if %cond3A_42 {
      %mul3A_182 = arith.constant 25 : i32
      %mul3A_183 = arith.muli %add3A, %mul3A_182 : i32
      %add3A_184 = arith.constant 3 : i32
      %add3A_185 = arith.addi %mul3A_183, %add3A_184 : i32
      %mul3A_186 = arith.constant 160 : i32
      %mul3A_187 = arith.muli %add3A_185, %mul3A_186 : i32
      %dma_start3A = arith.constant 0 : i32
      %dma_start3A_188 = tpu.memref_slice %arg2[%mul3A_187, %dma_start3A] : memref<200000x128xf32, #tpu.memory_space<hbm>> -> memref<160x128xf32, #tpu.memory_space<hbm>>
      %dma_start3A_189 = arith.constant 0 : i32
      %dma_start3A_190 = tpu.memref_slice %arg2[%mul3A_187, %dma_start3A_189] : memref<200000x128xf32, #tpu.memory_space<hbm>> -> memref<160x128xf32, #tpu.memory_space<hbm>>
      tpu.enqueue_dma source(%dma_start3A_190 : memref<160x128xf32, #tpu.memory_space<hbm>>) target(%arg12 : memref<160x128xf32, #tpu.memory_space<vmem>>) target_semaphore(%arg20 : memref<!tpu.dma_semaphore, #tpu.memory_space<semaphore_mem>>)
    } else {
    }
    %broadcast_in_dim3A = arith.constant 0.000000e+00 : f32
    %broadcast_in_dim3A_43 = vector.broadcast %broadcast_in_dim3A : f32 to vector<16xf32>
    %scan3A = arith.constant 0 : i32
    %scan3A_44 = arith.constant 128 : i32
    %scan3A_45 = arith.addi %scan3A, %scan3A_44 : i32
    %scan3A_46 = arith.constant 1 : i32
    scf.for %scan3A_182 = %scan3A to %scan3A_45 step %scan3A_46  : i32 {
      %mul3A_183 = arith.constant 1 : i32
      %mul3A_184 = arith.muli %scan3A_182, %mul3A_183 : i32
      %add3A_185 = arith.constant 0 : i32
      %add3A_186 = arith.addi %add3A_185, %mul3A_184 : i32
      %swap3A = arith.index_cast %add3A_186 : i32 to index
      %swap3A_187 = arith.constant 0 : index
      %swap3A_188 = tpu.vector_load %arg13[%swap3A, %swap3A_187] {strides = array<i32>} : memref<160x128xf32, #tpu.memory_space<vmem>>, vector<1x16xf32>,
      %swap3A_189 = vector.shape_cast %swap3A_188 : vector<1x16xf32> to vector<16xf32>
      %swap3A_190 = vector.shape_cast %broadcast_in_dim3A_43 : vector<16xf32> to vector<1x16xf32>
      tpu.vector_store %arg13[%swap3A, %swap3A_187], %swap3A_190 {strides = array<i32>} : memref<160x128xf32, #tpu.memory_space<vmem>>, vector<1x16xf32>,
      %swap3A_191 = arith.index_cast %add3A_186 : i32 to index
      %swap3A_192 = arith.constant 16 : index
      %swap3A_193 = tpu.vector_load %arg13[%swap3A_191, %swap3A_192] {strides = array<i32>} : memref<160x128xf32, #tpu.memory_space<vmem>>, vector<1x16xf32>,
      %swap3A_194 = vector.shape_cast %swap3A_193 : vector<1x16xf32> to vector<16xf32>
      %swap3A_195 = vector.shape_cast %broadcast_in_dim3A_43 : vector<16xf32> to vector<1x16xf32>
      tpu.vector_store %arg13[%swap3A_191, %swap3A_192], %swap3A_195 {strides = array<i32>} : memref<160x128xf32, #tpu.memory_space<vmem>>, vector<1x16xf32>,
      %swap3A_196 = arith.index_cast %add3A_186 : i32 to index
      %swap3A_197 = arith.constant 32 : index
      %swap3A_198 = tpu.vector_load %arg13[%swap3A_196, %swap3A_197] {strides = array<i32>} : memref<160x128xf32, #tpu.memory_space<vmem>>, vector<1x16xf32>,
      %swap3A_199 = vector.shape_cast %swap3A_198 : vector<1x16xf32> to vector<16xf32>
      %swap3A_200 = vector.shape_cast %broadcast_in_dim3A_43 : vector<16xf32> to vector<1x16xf32>
      tpu.vector_store %arg13[%swap3A_196, %swap3A_197], %swap3A_200 {strides = array<i32>} : memref<160x128xf32, #tpu.memory_space<vmem>>, vector<1x16xf32>,
      %swap3A_201 = arith.index_cast %add3A_186 : i32 to index
      %swap3A_202 = arith.constant 48 : index
      %swap3A_203 = tpu.vector_load %arg13[%swap3A_201, %swap3A_202] {strides = array<i32>} : memref<160x128xf32, #tpu.memory_space<vmem>>, vector<1x16xf32>,
      %swap3A_204 = vector.shape_cast %swap3A_203 : vector<1x16xf32> to vector<16xf32>
      %swap3A_205 = vector.shape_cast %broadcast_in_dim3A_43 : vector<16xf32> to vector<1x16xf32>
      tpu.vector_store %arg13[%swap3A_201, %swap3A_202], %swap3A_205 {strides = array<i32>} : memref<160x128xf32, #tpu.memory_space<vmem>>, vector<1x16xf32>,
      %swap3A_206 = arith.index_cast %add3A_186 : i32 to index
      %swap3A_207 = arith.constant 64 : index
      %swap3A_208 = tpu.vector_load %arg13[%swap3A_206, %swap3A_207] {strides = array<i32>} : memref<160x128xf32, #tpu.memory_space<vmem>>, vector<1x16xf32>,
      %swap3A_209 = vector.shape_cast %swap3A_208 : vector<1x16xf32> to vector<16xf32>
      %swap3A_210 = vector.shape_cast %broadcast_in_dim3A_43 : vector<16xf32> to vector<1x16xf32>
      tpu.vector_store %arg13[%swap3A_206, %swap3A_207], %swap3A_210 {strides = array<i32>} : memref<160x128xf32, #tpu.memory_space<vmem>>, vector<1x16xf32>,
      %swap3A_211 = arith.index_cast %add3A_186 : i32 to index
      %swap3A_212 = arith.constant 80 : index
      %swap3A_213 = tpu.vector_load %arg13[%swap3A_211, %swap3A_212] {strides = array<i32>} : memref<160x128xf32, #tpu.memory_space<vmem>>, vector<1x16xf32>,
      %swap3A_214 = vector.shape_cast %swap3A_213 : vector<1x16xf32> to vector<16xf32>
      %swap3A_215 = vector.shape_cast %broadcast_in_dim3A_43 : vector<16xf32> to vector<1x16xf32>
      tpu.vector_store %arg13[%swap3A_211, %swap3A_212], %swap3A_215 {strides = array<i32>} : memref<160x128xf32, #tpu.memory_space<vmem>>, vector<1x16xf32>,
      %swap3A_216 = arith.index_cast %add3A_186 : i32 to index
      %swap3A_217 = arith.constant 96 : index
      %swap3A_218 = tpu.vector_load %arg13[%swap3A_216, %swap3A_217] {strides = array<i32>} : memref<160x128xf32, #tpu.memory_space<vmem>>, vector<1x16xf32>,
      %swap3A_219 = vector.shape_cast %swap3A_218 : vector<1x16xf32> to vector<16xf32>
      %swap3A_220 = vector.shape_cast %broadcast_in_dim3A_43 : vector<16xf32> to vector<1x16xf32>
      tpu.vector_store %arg13[%swap3A_216, %swap3A_217], %swap3A_220 {strides = array<i32>} : memref<160x128xf32, #tpu.memory_space<vmem>>, vector<1x16xf32>,
      %swap3A_221 = arith.index_cast %add3A_186 : i32 to index
      %swap3A_222 = arith.constant 112 : index
      %swap3A_223 = tpu.vector_load %arg13[%swap3A_221, %swap3A_222] {strides = array<i32>} : memref<160x128xf32, #tpu.memory_space<vmem>>, vector<1x16xf32>,
      %swap3A_224 = vector.shape_cast %swap3A_223 : vector<1x16xf32> to vector<16xf32>
      %swap3A_225 = vector.shape_cast %broadcast_in_dim3A_43 : vector<16xf32> to vector<1x16xf32>
      tpu.vector_store %arg13[%swap3A_221, %swap3A_222], %swap3A_225 {strides = array<i32>} : memref<160x128xf32, #tpu.memory_space<vmem>>, vector<1x16xf32>,
    }
    %scan3A_47 = arith.constant 128 : i32
    "tpu.region"() ({
      %run_scoped3A = tpu.sem_alloc : memref<!tpu.dma_semaphore, #tpu.memory_space<semaphore_mem>>
      %dma_start3A = arith.constant 0 : i32
      %dma_start3A_182 = arith.constant 0 : i32
      %dma_start3A_183 = tpu.memref_slice %arg13[%dma_start3A, %dma_start3A_182] : memref<160x128xf32, #tpu.memory_space<vmem>> -> memref<128x128xf32, #tpu.memory_space<vmem>>
      %dma_start3A_184 = arith.constant 0 : i32
      %dma_start3A_185 = tpu.memref_slice %arg15[%mul3A_23, %dma_start3A_184] : memref<2048x128xf32, #tpu.memory_space<vmem_shared>> -> memref<128x128xf32, #tpu.memory_space<vmem_shared>>
      %dma_start3A_186 = arith.constant 0 : i32
      %dma_start3A_187 = tpu.memref_slice %arg15[%mul3A_23, %dma_start3A_186] : memref<2048x128xf32, #tpu.memory_space<vmem_shared>> -> memref<128x128xf32, #tpu.memory_space<vmem_shared>>
      %dma_start3A_188 = arith.constant 0 : i32
      %dma_start3A_189 = arith.constant 0 : i32
      %dma_start3A_190 = tpu.memref_slice %arg13[%dma_start3A_188, %dma_start3A_189] : memref<160x128xf32, #tpu.memory_space<vmem>> -> memref<128x128xf32, #tpu.memory_space<vmem>>
      tpu.enqueue_dma source(%dma_start3A_190 : memref<128x128xf32, #tpu.memory_space<vmem>>) target(%dma_start3A_187 : memref<128x128xf32, #tpu.memory_space<vmem_shared>>) target_semaphore(%run_scoped3A : memref<!tpu.dma_semaphore, #tpu.memory_space<semaphore_mem>>)
      %dma_wait3A = arith.constant 0 : i32
      %dma_wait3A_191 = arith.constant 0 : i32
      %dma_wait3A_192 = tpu.memref_slice %arg13[%dma_wait3A, %dma_wait3A_191] : memref<160x128xf32, #tpu.memory_space<vmem>> -> memref<128x128xf32, #tpu.memory_space<vmem>>
      %dma_wait3A_193 = arith.constant 0 : i32
      %dma_wait3A_194 = tpu.memref_slice %arg15[%mul3A_23, %dma_wait3A_193] : memref<2048x128xf32, #tpu.memory_space<vmem_shared>> -> memref<128x128xf32, #tpu.memory_space<vmem_shared>>
      %dma_wait3A_195 = arith.constant 0 : i32
      %dma_wait3A_196 = tpu.memref_slice %arg15[%mul3A_23, %dma_wait3A_195] : memref<2048x128xf32, #tpu.memory_space<vmem_shared>> -> memref<128x128xf32, #tpu.memory_space<vmem_shared>>
      %dma_wait3A_197 = arith.constant 0 : i32
      %dma_wait3A_198 = arith.constant 0 : i32
      %dma_wait3A_199 = tpu.memref_slice %arg13[%dma_wait3A_197, %dma_wait3A_198] : memref<160x128xf32, #tpu.memory_space<vmem>> -> memref<128x128xf32, #tpu.memory_space<vmem>>
      tpu.wait_dma2 semaphore(%run_scoped3A : memref<!tpu.dma_semaphore, #tpu.memory_space<semaphore_mem>>) src(%dma_wait3A_199 : memref<128x128xf32, #tpu.memory_space<vmem>>) dst(%dma_wait3A_196 : memref<128x128xf32, #tpu.memory_space<vmem_shared>>)
      tpu.yield
    }) : () -> ()
    "tpu.region"() ({
      %run_scoped3A = tpu.sem_alloc : memref<!tpu.dma_semaphore, #tpu.memory_space<semaphore_mem>>
      %dma_start3A = arith.constant 0 : i32
      %dma_start3A_182 = arith.constant 0 : i32
      %dma_start3A_183 = tpu.memref_slice %arg13[%dma_start3A, %dma_start3A_182] : memref<160x128xf32, #tpu.memory_space<vmem>> -> memref<64x16xf32, #tpu.memory_space<vmem>>
      %dma_start3A_184 = arith.constant 0 : i32
      %dma_start3A_185 = tpu.memref_slice %arg16[%mul3A_25, %dma_start3A_184] : memref<1024x16xf32, #tpu.memory_space<vmem_shared>> -> memref<64x16xf32, #tpu.memory_space<vmem_shared>>
      %dma_start3A_186 = arith.constant 0 : i32
      %dma_start3A_187 = tpu.memref_slice %arg16[%mul3A_25, %dma_start3A_186] : memref<1024x16xf32, #tpu.memory_space<vmem_shared>> -> memref<64x16xf32, #tpu.memory_space<vmem_shared>>
      %dma_start3A_188 = arith.constant 0 : i32
      %dma_start3A_189 = arith.constant 0 : i32
      %dma_start3A_190 = tpu.memref_slice %arg13[%dma_start3A_188, %dma_start3A_189] : memref<160x128xf32, #tpu.memory_space<vmem>> -> memref<64x16xf32, #tpu.memory_space<vmem>>
      tpu.enqueue_dma source(%dma_start3A_190 : memref<64x16xf32, #tpu.memory_space<vmem>>) target(%dma_start3A_187 : memref<64x16xf32, #tpu.memory_space<vmem_shared>>) target_semaphore(%run_scoped3A : memref<!tpu.dma_semaphore, #tpu.memory_space<semaphore_mem>>)
      %dma_wait3A = arith.constant 0 : i32
      %dma_wait3A_191 = arith.constant 0 : i32
      %dma_wait3A_192 = tpu.memref_slice %arg13[%dma_wait3A, %dma_wait3A_191] : memref<160x128xf32, #tpu.memory_space<vmem>> -> memref<64x16xf32, #tpu.memory_space<vmem>>
      %dma_wait3A_193 = arith.constant 0 : i32
      %dma_wait3A_194 = tpu.memref_slice %arg16[%mul3A_25, %dma_wait3A_193] : memref<1024x16xf32, #tpu.memory_space<vmem_shared>> -> memref<64x16xf32, #tpu.memory_space<vmem_shared>>
      %dma_wait3A_195 = arith.constant 0 : i32
      %dma_wait3A_196 = tpu.memref_slice %arg16[%mul3A_25, %dma_wait3A_195] : memref<1024x16xf32, #tpu.memory_space<vmem_shared>> -> memref<64x16xf32, #tpu.memory_space<vmem_shared>>
      %dma_wait3A_197 = arith.constant 0 : i32
      %dma_wait3A_198 = arith.constant 0 : i32
      %dma_wait3A_199 = tpu.memref_slice %arg13[%dma_wait3A_197, %dma_wait3A_198] : memref<160x128xf32, #tpu.memory_space<vmem>> -> memref<64x16xf32, #tpu.memory_space<vmem>>
      tpu.wait_dma2 semaphore(%run_scoped3A : memref<!tpu.dma_semaphore, #tpu.memory_space<semaphore_mem>>) src(%dma_wait3A_199 : memref<64x16xf32, #tpu.memory_space<vmem>>) dst(%dma_wait3A_196 : memref<64x16xf32, #tpu.memory_space<vmem_shared>>)
      tpu.yield
    }) : () -> ()
    %scan3A_48 = arith.constant 0 : i32
    %scan3A_49 = arith.constant 80 : i32
    %scan3A_50 = arith.addi %scan3A_48, %scan3A_49 : i32
    %scan3A_51 = arith.constant 1 : i32
    scf.for %scan3A_182 = %scan3A_48 to %scan3A_50 step %scan3A_51  : i32 {
      %mul3A_183 = arith.constant 1 : i32
      %mul3A_184 = arith.muli %scan3A_182, %mul3A_183 : i32
      %add3A_185 = arith.constant 0 : i32
      %add3A_186 = arith.addi %add3A_185, %mul3A_184 : i32
      %broadcast_in_dim3A_187 = arith.constant 1.000000e+00 : f32
      %broadcast_in_dim3A_188 = vector.broadcast %broadcast_in_dim3A_187 : f32 to vector<16xf32>
      %swap3A = arith.index_cast %add3A_186 : i32 to index
      %swap3A_189 = arith.constant 0 : index
      %swap3A_190 = tpu.vector_load %arg14[%swap3A, %swap3A_189] {strides = array<i32>} : memref<80x16xf32, #tpu.memory_space<vmem>>, vector<1x16xf32>,
      %swap3A_191 = vector.shape_cast %swap3A_190 : vector<1x16xf32> to vector<16xf32>
      %swap3A_192 = vector.shape_cast %broadcast_in_dim3A_188 : vector<16xf32> to vector<1x16xf32>
      tpu.vector_store %arg14[%swap3A, %swap3A_189], %swap3A_192 {strides = array<i32>} : memref<80x16xf32, #tpu.memory_space<vmem>>, vector<1x16xf32>,
    }
    %scan3A_52 = arith.constant 80 : i32
    %eq3A = arith.constant 25 : i32
    %eq3A_53 = arith.cmpi eq, %min3A_21, %eq3A : i32
    %convert_element_type3A_54 = arith.extui %eq3A_53 : i1 to i32
    %cond3A_55 = arith.constant 0 : i32
    %cond3A_56 = arith.cmpi ne, %convert_element_type3A_54, %cond3A_55 : i32
    scf.if %cond3A_56 {
      %mul3A_182 = arith.constant 25 : i32
      %mul3A_183 = arith.muli %add3A, %mul3A_182 : i32
      "tpu.region"() ({
        %run_scoped3A = tpu.sem_alloc : memref<!tpu.dma_semaphore, #tpu.memory_space<semaphore_mem>>
        %dma_start3A = arith.constant 0 : i32
        %dma_start3A_188 = tpu.memref_slice %arg3[%mul3A_183, %dma_start3A] : memref<800x80xi32, #tpu.memory_space<hbm>> -> memref<25x80xi32, #tpu.memory_space<hbm>>
        %dma_start3A_189 = arith.constant 0 : i32
        %dma_start3A_190 = tpu.memref_slice %arg3[%mul3A_183, %dma_start3A_189] : memref<800x80xi32, #tpu.memory_space<hbm>> -> memref<25x80xi32, #tpu.memory_space<hbm>>
        tpu.enqueue_dma source(%dma_start3A_190 : memref<25x80xi32, #tpu.memory_space<hbm>>) target(%arg7 : memref<25x80xi32, #tpu.memory_space<vmem>>) target_semaphore(%run_scoped3A : memref<!tpu.dma_semaphore, #tpu.memory_space<semaphore_mem>>)
        %dma_wait3A = arith.constant 0 : i32
        %dma_wait3A_191 = tpu.memref_slice %arg3[%mul3A_183, %dma_wait3A] : memref<800x80xi32, #tpu.memory_space<hbm>> -> memref<25x80xi32, #tpu.memory_space<hbm>>
        %dma_wait3A_192 = arith.constant 0 : i32
        %dma_wait3A_193 = tpu.memref_slice %arg3[%mul3A_183, %dma_wait3A_192] : memref<800x80xi32, #tpu.memory_space<hbm>> -> memref<25x80xi32, #tpu.memory_space<hbm>>
        tpu.wait_dma2 semaphore(%run_scoped3A : memref<!tpu.dma_semaphore, #tpu.memory_space<semaphore_mem>>) src(%dma_wait3A_193 : memref<25x80xi32, #tpu.memory_space<hbm>>) dst(%arg7 : memref<25x80xi32, #tpu.memory_space<vmem>>)
        tpu.yield
      }) : () -> ()
      %mul3A_184 = arith.constant 2 : i32
      %mul3A_185 = arith.muli %add3A, %mul3A_184 : i32
      %mul3A_186 = arith.constant 25 : i32
      %mul3A_187 = arith.muli %mul3A_185, %mul3A_186 : i32
      "tpu.region"() ({
        %run_scoped3A = tpu.sem_alloc : memref<!tpu.dma_semaphore, #tpu.memory_space<semaphore_mem>>
        %dma_start3A = arith.constant 0 : i32
        %dma_start3A_188 = tpu.memref_slice %arg4[%mul3A_187, %dma_start3A] : memref<1600x80xi32, #tpu.memory_space<hbm>> -> memref<50x80xi32, #tpu.memory_space<hbm>>
        %dma_start3A_189 = arith.constant 0 : i32
        %dma_start3A_190 = tpu.memref_slice %arg4[%mul3A_187, %dma_start3A_189] : memref<1600x80xi32, #tpu.memory_space<hbm>> -> memref<50x80xi32, #tpu.memory_space<hbm>>
        tpu.enqueue_dma source(%dma_start3A_190 : memref<50x80xi32, #tpu.memory_space<hbm>>) target(%arg8 : memref<50x80xi32, #tpu.memory_space<vmem>>) target_semaphore(%run_scoped3A : memref<!tpu.dma_semaphore, #tpu.memory_space<semaphore_mem>>)
        %dma_wait3A = arith.constant 0 : i32
        %dma_wait3A_191 = tpu.memref_slice %arg4[%mul3A_187, %dma_wait3A] : memref<1600x80xi32, #tpu.memory_space<hbm>> -> memref<50x80xi32, #tpu.memory_space<hbm>>
        %dma_wait3A_192 = arith.constant 0 : i32
        %dma_wait3A_193 = tpu.memref_slice %arg4[%mul3A_187, %dma_wait3A_192] : memref<1600x80xi32, #tpu.memory_space<hbm>> -> memref<50x80xi32, #tpu.memory_space<hbm>>
        tpu.wait_dma2 semaphore(%run_scoped3A : memref<!tpu.dma_semaphore, #tpu.memory_space<semaphore_mem>>) src(%dma_wait3A_193 : memref<50x80xi32, #tpu.memory_space<hbm>>) dst(%arg8 : memref<50x80xi32, #tpu.memory_space<vmem>>)
        tpu.yield
      }) : () -> ()
    } else {
    }
    %lt3A = arith.constant 25 : i32
    %lt3A_57 = arith.cmpi slt, %min3A_21, %lt3A : i32
    %convert_element_type3A_58 = arith.extui %lt3A_57 : i1 to i32
    %cond3A_59 = arith.constant 0 : i32
    %cond3A_60 = arith.cmpi ne, %convert_element_type3A_58, %cond3A_59 : i32
    scf.if %cond3A_60 {
      %mul3A_182 = arith.constant 25 : i32
      %mul3A_183 = arith.muli %add3A, %mul3A_182 : i32
      "tpu.region"() ({
        %run_scoped3A = tpu.sem_alloc : memref<!tpu.dma_semaphore, #tpu.memory_space<semaphore_mem>>
        %dma_start3A = arith.constant 0 : i32
        %dma_start3A_188 = arith.constant 0 : i32
        %dma_start3A_189 = tpu.memref_slice %arg7[%dma_start3A, %dma_start3A_188] : memref<25x80xi32, #tpu.memory_space<vmem>> -> memref<25x80xi32, #tpu.memory_space<vmem>>
        %dma_start3A_190 = arith.constant 0 : i32
        %dma_start3A_191 = tpu.memref_slice %arg3[%mul3A_183, %dma_start3A_190] : memref<800x80xi32, #tpu.memory_space<hbm>> -> memref<25x80xi32, #tpu.memory_space<hbm>>
        %dma_start3A_192 = arith.constant 0 : i32
        %dma_start3A_193 = arith.constant 0 : i32
        %dma_start3A_194 = tpu.memref_slice %arg7[%dma_start3A_192, %dma_start3A_193] : memref<25x80xi32, #tpu.memory_space<vmem>> -> memref<25x80xi32, #tpu.memory_space<vmem>>
        %dma_start3A_195 = arith.constant 0 : i32
        %dma_start3A_196 = tpu.memref_slice %arg3[%mul3A_183, %dma_start3A_195] : memref<800x80xi32, #tpu.memory_space<hbm>> -> memref<25x80xi32, #tpu.memory_space<hbm>>
        tpu.enqueue_dma source(%dma_start3A_196 : memref<25x80xi32, #tpu.memory_space<hbm>>) target(%dma_start3A_194 : memref<25x80xi32, #tpu.memory_space<vmem>>) target_semaphore(%run_scoped3A : memref<!tpu.dma_semaphore, #tpu.memory_space<semaphore_mem>>)
        %dma_wait3A = arith.constant 0 : i32
        %dma_wait3A_197 = arith.constant 0 : i32
        %dma_wait3A_198 = tpu.memref_slice %arg7[%dma_wait3A, %dma_wait3A_197] : memref<25x80xi32, #tpu.memory_space<vmem>> -> memref<25x80xi32, #tpu.memory_space<vmem>>
        %dma_wait3A_199 = arith.constant 0 : i32
        %dma_wait3A_200 = tpu.memref_slice %arg3[%mul3A_183, %dma_wait3A_199] : memref<800x80xi32, #tpu.memory_space<hbm>> -> memref<25x80xi32, #tpu.memory_space<hbm>>
        %dma_wait3A_201 = arith.constant 0 : i32
        %dma_wait3A_202 = arith.constant 0 : i32
        %dma_wait3A_203 = tpu.memref_slice %arg7[%dma_wait3A_201, %dma_wait3A_202] : memref<25x80xi32, #tpu.memory_space<vmem>> -> memref<25x80xi32, #tpu.memory_space<vmem>>
        %dma_wait3A_204 = arith.constant 0 : i32
        %dma_wait3A_205 = tpu.memref_slice %arg3[%mul3A_183, %dma_wait3A_204] : memref<800x80xi32, #tpu.memory_space<hbm>> -> memref<25x80xi32, #tpu.memory_space<hbm>>
        tpu.wait_dma2 semaphore(%run_scoped3A : memref<!tpu.dma_semaphore, #tpu.memory_space<semaphore_mem>>) src(%dma_wait3A_205 : memref<25x80xi32, #tpu.memory_space<hbm>>) dst(%dma_wait3A_203 : memref<25x80xi32, #tpu.memory_space<vmem>>)
        tpu.yield
      }) : () -> ()
      %mul3A_184 = arith.constant 2 : i32
      %mul3A_185 = arith.muli %add3A, %mul3A_184 : i32
      %mul3A_186 = arith.constant 25 : i32
      %mul3A_187 = arith.muli %mul3A_185, %mul3A_186 : i32
      "tpu.region"() ({
        %run_scoped3A = tpu.sem_alloc : memref<!tpu.dma_semaphore, #tpu.memory_space<semaphore_mem>>
        %dma_start3A = arith.constant 0 : i32
        %dma_start3A_188 = arith.constant 0 : i32
        %dma_start3A_189 = tpu.memref_slice %arg8[%dma_start3A, %dma_start3A_188] : memref<50x80xi32, #tpu.memory_space<vmem>> -> memref<50x80xi32, #tpu.memory_space<vmem>>
        %dma_start3A_190 = arith.constant 0 : i32
        %dma_start3A_191 = tpu.memref_slice %arg4[%mul3A_187, %dma_start3A_190] : memref<1600x80xi32, #tpu.memory_space<hbm>> -> memref<50x80xi32, #tpu.memory_space<hbm>>
        %dma_start3A_192 = arith.constant 0 : i32
        %dma_start3A_193 = arith.constant 0 : i32
        %dma_start3A_194 = tpu.memref_slice %arg8[%dma_start3A_192, %dma_start3A_193] : memref<50x80xi32, #tpu.memory_space<vmem>> -> memref<50x80xi32, #tpu.memory_space<vmem>>
        %dma_start3A_195 = arith.constant 0 : i32
        %dma_start3A_196 = tpu.memref_slice %arg4[%mul3A_187, %dma_start3A_195] : memref<1600x80xi32, #tpu.memory_space<hbm>> -> memref<50x80xi32, #tpu.memory_space<hbm>>
        tpu.enqueue_dma source(%dma_start3A_196 : memref<50x80xi32, #tpu.memory_space<hbm>>) target(%dma_start3A_194 : memref<50x80xi32, #tpu.memory_space<vmem>>) target_semaphore(%run_scoped3A : memref<!tpu.dma_semaphore, #tpu.memory_space<semaphore_mem>>)
        %dma_wait3A = arith.constant 0 : i32
        %dma_wait3A_197 = arith.constant 0 : i32
        %dma_wait3A_198 = tpu.memref_slice %arg8[%dma_wait3A, %dma_wait3A_197] : memref<50x80xi32, #tpu.memory_space<vmem>> -> memref<50x80xi32, #tpu.memory_space<vmem>>
        %dma_wait3A_199 = arith.constant 0 : i32
        %dma_wait3A_200 = tpu.memref_slice %arg4[%mul3A_187, %dma_wait3A_199] : memref<1600x80xi32, #tpu.memory_space<hbm>> -> memref<50x80xi32, #tpu.memory_space<hbm>>
        %dma_wait3A_201 = arith.constant 0 : i32
        %dma_wait3A_202 = arith.constant 0 : i32
        %dma_wait3A_203 = tpu.memref_slice %arg8[%dma_wait3A_201, %dma_wait3A_202] : memref<50x80xi32, #tpu.memory_space<vmem>> -> memref<50x80xi32, #tpu.memory_space<vmem>>
        %dma_wait3A_204 = arith.constant 0 : i32
        %dma_wait3A_205 = tpu.memref_slice %arg4[%mul3A_187, %dma_wait3A_204] : memref<1600x80xi32, #tpu.memory_space<hbm>> -> memref<50x80xi32, #tpu.memory_space<hbm>>
        tpu.wait_dma2 semaphore(%run_scoped3A : memref<!tpu.dma_semaphore, #tpu.memory_space<semaphore_mem>>) src(%dma_wait3A_205 : memref<50x80xi32, #tpu.memory_space<hbm>>) dst(%dma_wait3A_203 : memref<50x80xi32, #tpu.memory_space<vmem>>)
        tpu.yield
      }) : () -> ()
    } else {
    }
    %barrier3A = arith.constant 0 : index
    tpu.barrier barrier_id(%barrier3A)
    %scan3A_61 = arith.constant 0 : i32
    %scan3A_62 = arith.constant 25 : i32
    %scan3A_63 = arith.addi %scan3A_61, %scan3A_62 : i32
    %scan3A_64 = arith.constant 1 : i32
    scf.for %scan3A_182 = %scan3A_61 to %scan3A_63 step %scan3A_64  : i32 {
      %mul3A_183 = arith.constant 1 : i32
      %mul3A_184 = arith.muli %scan3A_182, %mul3A_183 : i32
      %add3A_185 = arith.constant 0 : i32
      %add3A_186 = arith.addi %add3A_185, %mul3A_184 : i32
      %lt3A_187 = arith.cmpi slt, %add3A_186, %min3A_21 : i32
      %convert_element_type3A_188 = arith.extui %lt3A_187 : i1 to i32
      %cond3A_189 = arith.constant 0 : i32
      %cond3A_190 = arith.cmpi ne, %convert_element_type3A_188, %cond3A_189 : i32
      scf.if %cond3A_190 {
        %jit3A_191 = arith.constant 5 : i32
        %eq3A_192 = arith.constant 0 : i32
        %eq3A_193 = arith.cmpi eq, %jit3A_191, %eq3A_192 : i32
        %jit3A_194 = arith.constant 1 : i32
        %select_n3A_195 = arith.select %eq3A_193, %jit3A_194, %jit3A_191 : i32
        %rem3A_196 = arith.remsi %add3A_186, %select_n3A_195 : i32
        %ne3A_197 = arith.constant 0 : i32
        %ne3A_198 = arith.cmpi ne, %rem3A_196, %ne3A_197 : i32
        %lt3A_199 = arith.constant 0 : i32
        %lt3A_200 = arith.cmpi slt, %rem3A_196, %lt3A_199 : i32
        %lt3A_201 = arith.constant 0 : i32
        %lt3A_202 = arith.cmpi slt, %select_n3A_195, %lt3A_201 : i32
        %ne3A_203 = arith.xori %lt3A_200, %lt3A_202 : i1
        %and3A_204 = arith.andi %ne3A_203, %ne3A_198 : i1
        %add3A_205 = arith.addi %rem3A_196, %select_n3A_195 : i32
        %select_n3A_206 = arith.select %and3A_204, %add3A_205, %rem3A_196 : i32
        %eq3A_207 = arith.constant 0 : i32
        %eq3A_208 = arith.cmpi eq, %select_n3A_206, %eq3A_207 : i32
        %convert_element_type3A_209 = arith.extui %eq3A_208 : i1 to i32
        %cond3A_210 = arith.constant 0 : i32
        %cond3A_211 = arith.cmpi ne, %convert_element_type3A_209, %cond3A_210 : i32
        scf.if %cond3A_211 {
          %dma_wait3A = arith.constant 0 : i32
          %dma_wait3A_296 = arith.constant 0 : i32
          %dma_wait3A_297 = tpu.memref_slice %arg2[%dma_wait3A, %dma_wait3A_296] : memref<200000x128xf32, #tpu.memory_space<hbm>> -> memref<160x128xf32, #tpu.memory_space<hbm>>
          %dma_wait3A_298 = arith.constant 0 : i32
          %dma_wait3A_299 = arith.constant 0 : i32
          %dma_wait3A_300 = tpu.memref_slice %arg2[%dma_wait3A_298, %dma_wait3A_299] : memref<200000x128xf32, #tpu.memory_space<hbm>> -> memref<160x128xf32, #tpu.memory_space<hbm>>
          tpu.wait_dma2 semaphore(%arg17 : memref<!tpu.dma_semaphore, #tpu.memory_space<semaphore_mem>>) src(%dma_wait3A_300 : memref<160x128xf32, #tpu.memory_space<hbm>>) dst(%arg9 : memref<160x128xf32, #tpu.memory_space<vmem>>)
          %mul3A_301 = arith.constant 2 : i32
          %mul3A_302 = arith.muli %mul3A_301, %add3A_186 : i32
          %dma_start3A = arith.constant 0 : i32
          %dma_start3A_303 = arith.constant 0 : i32
          %dma_start3A_304 = tpu.memref_slice %arg9[%dma_start3A, %dma_start3A_303] : memref<160x128xf32, #tpu.memory_space<vmem>> -> memref<80x128xf32, #tpu.memory_space<vmem>>
          %dma_start3A_305 = arith.constant 0 : i32
          %dma_start3A_306 = tpu.memref_slice %arg8[%mul3A_302, %dma_start3A_305] : memref<50x80xi32, #tpu.memory_space<vmem>> -> memref<1x80xi32, #tpu.memory_space<vmem>>
          %dma_start3A_307 = tpu.memref_squeeze %dma_start3A_306 : memref<1x80xi32, #tpu.memory_space<vmem>> -> memref<80xi32, #tpu.memory_space<vmem>>
          %dma_start3A_308 = arith.constant 0 : i32
          %dma_start3A_309 = arith.constant 0 : i32
          %dma_start3A_310 = tpu.memref_slice %arg15[%dma_start3A_308, %dma_start3A_309] : memref<2048x128xf32, #tpu.memory_space<vmem_shared>> -> memref<2048x128xf32, #tpu.memory_space<vmem_shared>>
          tpu.enqueue_indirect_dma source(%dma_start3A_304 : memref<80x128xf32, #tpu.memory_space<vmem>>) target(%dma_start3A_310 : memref<2048x128xf32, #tpu.memory_space<vmem_shared>>) offsets(%dma_start3A_307 : memref<80xi32, #tpu.memory_space<vmem>>) semaphore(%arg22 : memref<!tpu.dma_semaphore, #tpu.memory_space<semaphore_mem>>) {add = true}
          %mul3A_311 = arith.constant 2 : i32
          %mul3A_312 = arith.muli %mul3A_311, %add3A_186 : i32
          %add3A_313 = arith.constant 1 : i32
          %add3A_314 = arith.addi %mul3A_312, %add3A_313 : i32
          %dma_start3A_315 = arith.constant 80 : i32
          %dma_start3A_316 = arith.constant 0 : i32
          %dma_start3A_317 = tpu.memref_slice %arg9[%dma_start3A_315, %dma_start3A_316] : memref<160x128xf32, #tpu.memory_space<vmem>> -> memref<80x128xf32, #tpu.memory_space<vmem>>
          %dma_start3A_318 = arith.constant 0 : i32
          %dma_start3A_319 = tpu.memref_slice %arg8[%add3A_314, %dma_start3A_318] : memref<50x80xi32, #tpu.memory_space<vmem>> -> memref<1x80xi32, #tpu.memory_space<vmem>>
          %dma_start3A_320 = tpu.memref_squeeze %dma_start3A_319 : memref<1x80xi32, #tpu.memory_space<vmem>> -> memref<80xi32, #tpu.memory_space<vmem>>
          %dma_start3A_321 = arith.constant 0 : i32
          %dma_start3A_322 = arith.constant 0 : i32
          %dma_start3A_323 = tpu.memref_slice %arg15[%dma_start3A_321, %dma_start3A_322] : memref<2048x128xf32, #tpu.memory_space<vmem_shared>> -> memref<2048x128xf32, #tpu.memory_space<vmem_shared>>
          tpu.enqueue_indirect_dma source(%dma_start3A_317 : memref<80x128xf32, #tpu.memory_space<vmem>>) target(%dma_start3A_323 : memref<2048x128xf32, #tpu.memory_space<vmem_shared>>) offsets(%dma_start3A_320 : memref<80xi32, #tpu.memory_space<vmem>>) semaphore(%arg22 : memref<!tpu.dma_semaphore, #tpu.memory_space<semaphore_mem>>) {add = true}
          %dma_start3A_324 = arith.constant 0 : i32
          %dma_start3A_325 = tpu.memref_slice %arg7[%add3A_186, %dma_start3A_324] : memref<25x80xi32, #tpu.memory_space<vmem>> -> memref<1x80xi32, #tpu.memory_space<vmem>>
          %dma_start3A_326 = tpu.memref_squeeze %dma_start3A_325 : memref<1x80xi32, #tpu.memory_space<vmem>> -> memref<80xi32, #tpu.memory_space<vmem>>
          %dma_start3A_327 = arith.constant 0 : i32
          %dma_start3A_328 = arith.constant 0 : i32
          %dma_start3A_329 = tpu.memref_slice %arg16[%dma_start3A_327, %dma_start3A_328] : memref<1024x16xf32, #tpu.memory_space<vmem_shared>> -> memref<1024x16xf32, #tpu.memory_space<vmem_shared>>
          tpu.enqueue_indirect_dma source(%arg14 : memref<80x16xf32, #tpu.memory_space<vmem>>) target(%dma_start3A_329 : memref<1024x16xf32, #tpu.memory_space<vmem_shared>>) offsets(%dma_start3A_326 : memref<80xi32, #tpu.memory_space<vmem>>) semaphore(%arg22 : memref<!tpu.dma_semaphore, #tpu.memory_space<semaphore_mem>>) {add = true}
          %ge3A = arith.constant 1 : i32
          %ge3A_330 = arith.cmpi sge, %add3A_186, %ge3A : i32
          %convert_element_type3A_331 = arith.extui %ge3A_330 : i1 to i32
          %cond3A_332 = arith.constant 0 : i32
          %cond3A_333 = arith.cmpi ne, %convert_element_type3A_331, %cond3A_332 : i32
          scf.if %cond3A_333 {
            %dma_wait3A_342 = arith.constant 0 : i32
            %dma_wait3A_343 = arith.constant 0 : i32
            %dma_wait3A_344 = tpu.memref_slice %arg2[%dma_wait3A_342, %dma_wait3A_343] : memref<200000x128xf32, #tpu.memory_space<hbm>> -> memref<160x128xf32, #tpu.memory_space<hbm>>
            %dma_wait3A_345 = arith.constant 0 : i32
            %dma_wait3A_346 = arith.constant 0 : i32
            %dma_wait3A_347 = tpu.memref_slice %arg2[%dma_wait3A_345, %dma_wait3A_346] : memref<200000x128xf32, #tpu.memory_space<hbm>> -> memref<160x128xf32, #tpu.memory_space<hbm>>
            tpu.wait_dma2 semaphore(%arg26 : memref<!tpu.dma_semaphore, #tpu.memory_space<semaphore_mem>>) src(%dma_wait3A_347 : memref<160x128xf32, #tpu.memory_space<hbm>>) dst(%arg13 : memref<160x128xf32, #tpu.memory_space<vmem>>)
            %dma_wait3A_348 = arith.constant 0 : i32
            %dma_wait3A_349 = arith.constant 0 : i32
            %dma_wait3A_350 = tpu.memref_slice %arg13[%dma_wait3A_348, %dma_wait3A_349] : memref<160x128xf32, #tpu.memory_space<vmem>> -> memref<10x128xf32, #tpu.memory_space<vmem>>
            %dma_wait3A_351 = arith.constant 0 : i32
            %dma_wait3A_352 = arith.constant 0 : i32
            %dma_wait3A_353 = tpu.memref_slice %arg2[%dma_wait3A_351, %dma_wait3A_352] : memref<200000x128xf32, #tpu.memory_space<hbm>> -> memref<10x128xf32, #tpu.memory_space<hbm>>
            %dma_wait3A_354 = arith.constant 0 : i32
            %dma_wait3A_355 = arith.constant 0 : i32
            %dma_wait3A_356 = tpu.memref_slice %arg13[%dma_wait3A_354, %dma_wait3A_355] : memref<160x128xf32, #tpu.memory_space<vmem>> -> memref<10x128xf32, #tpu.memory_space<vmem>>
            %dma_wait3A_357 = arith.constant 0 : i32
            %dma_wait3A_358 = arith.constant 0 : i32
            %dma_wait3A_359 = tpu.memref_slice %arg2[%dma_wait3A_357, %dma_wait3A_358] : memref<200000x128xf32, #tpu.memory_space<hbm>> -> memref<10x128xf32, #tpu.memory_space<hbm>>
            tpu.wait_dma2 semaphore(%arg26 : memref<!tpu.dma_semaphore, #tpu.memory_space<semaphore_mem>>) src(%dma_wait3A_359 : memref<10x128xf32, #tpu.memory_space<hbm>>) dst(%dma_wait3A_356 : memref<10x128xf32, #tpu.memory_space<vmem>>)
          } else {
          }
          %add3A_334 = arith.constant 5 : i32
          %add3A_335 = arith.addi %add3A_186, %add3A_334 : i32
          %sub3A_336 = arith.constant 1 : i32
          %sub3A_337 = arith.subi %add3A_335, %sub3A_336 : i32
          %lt3A_338 = arith.cmpi slt, %sub3A_337, %min3A_21 : i32
          %convert_element_type3A_339 = arith.extui %lt3A_338 : i1 to i32
          %cond3A_340 = arith.constant 0 : i32
          %cond3A_341 = arith.cmpi ne, %convert_element_type3A_339, %cond3A_340 : i32
          scf.if %cond3A_341 {
            %mul3A_342 = arith.constant 25 : i32
            %mul3A_343 = arith.muli %add3A, %mul3A_342 : i32
            %add3A_344 = arith.addi %mul3A_343, %add3A_186 : i32
            %add3A_345 = arith.constant 5 : i32
            %add3A_346 = arith.addi %add3A_344, %add3A_345 : i32
            %sub3A_347 = arith.constant 1 : i32
            %sub3A_348 = arith.subi %add3A_346, %sub3A_347 : i32
            %mul3A_349 = arith.constant 160 : i32
            %mul3A_350 = arith.muli %sub3A_348, %mul3A_349 : i32
            %dma_start3A_351 = arith.constant 0 : i32
            %dma_start3A_352 = tpu.memref_slice %arg2[%mul3A_350, %dma_start3A_351] : memref<200000x128xf32, #tpu.memory_space<hbm>> -> memref<160x128xf32, #tpu.memory_space<hbm>>
            %dma_start3A_353 = arith.constant 0 : i32
            %dma_start3A_354 = tpu.memref_slice %arg2[%mul3A_350, %dma_start3A_353] : memref<200000x128xf32, #tpu.memory_space<hbm>> -> memref<160x128xf32, #tpu.memory_space<hbm>>
            tpu.enqueue_dma source(%dma_start3A_354 : memref<160x128xf32, #tpu.memory_space<hbm>>) target(%arg13 : memref<160x128xf32, #tpu.memory_space<vmem>>) target_semaphore(%arg21 : memref<!tpu.dma_semaphore, #tpu.memory_space<semaphore_mem>>)
          } else {
          }
        } else {
        }
        %jit3A_212 = arith.constant 5 : i32
        %eq3A_213 = arith.constant 0 : i32
        %eq3A_214 = arith.cmpi eq, %jit3A_212, %eq3A_213 : i32
        %jit3A_215 = arith.constant 1 : i32
        %select_n3A_216 = arith.select %eq3A_214, %jit3A_215, %jit3A_212 : i32
        %rem3A_217 = arith.remsi %add3A_186, %select_n3A_216 : i32
        %ne3A_218 = arith.constant 0 : i32
        %ne3A_219 = arith.cmpi ne, %rem3A_217, %ne3A_218 : i32
        %lt3A_220 = arith.constant 0 : i32
        %lt3A_221 = arith.cmpi slt, %rem3A_217, %lt3A_220 : i32
        %lt3A_222 = arith.constant 0 : i32
        %lt3A_223 = arith.cmpi slt, %select_n3A_216, %lt3A_222 : i32
        %ne3A_224 = arith.xori %lt3A_221, %lt3A_223 : i1
        %and3A_225 = arith.andi %ne3A_224, %ne3A_219 : i1
        %add3A_226 = arith.addi %rem3A_217, %select_n3A_216 : i32
        %select_n3A_227 = arith.select %and3A_225, %add3A_226, %rem3A_217 : i32
        %eq3A_228 = arith.constant 1 : i32
        %eq3A_229 = arith.cmpi eq, %select_n3A_227, %eq3A_228 : i32
        %convert_element_type3A_230 = arith.extui %eq3A_229 : i1 to i32
        %cond3A_231 = arith.constant 0 : i32
        %cond3A_232 = arith.cmpi ne, %convert_element_type3A_230, %cond3A_231 : i32
        scf.if %cond3A_232 {
          %dma_wait3A = arith.constant 0 : i32
          %dma_wait3A_296 = arith.constant 0 : i32
          %dma_wait3A_297 = tpu.memref_slice %arg2[%dma_wait3A, %dma_wait3A_296] : memref<200000x128xf32, #tpu.memory_space<hbm>> -> memref<160x128xf32, #tpu.memory_space<hbm>>
          %dma_wait3A_298 = arith.constant 0 : i32
          %dma_wait3A_299 = arith.constant 0 : i32
          %dma_wait3A_300 = tpu.memref_slice %arg2[%dma_wait3A_298, %dma_wait3A_299] : memref<200000x128xf32, #tpu.memory_space<hbm>> -> memref<160x128xf32, #tpu.memory_space<hbm>>
          tpu.wait_dma2 semaphore(%arg18 : memref<!tpu.dma_semaphore, #tpu.memory_space<semaphore_mem>>) src(%dma_wait3A_300 : memref<160x128xf32, #tpu.memory_space<hbm>>) dst(%arg10 : memref<160x128xf32, #tpu.memory_space<vmem>>)
          %mul3A_301 = arith.constant 2 : i32
          %mul3A_302 = arith.muli %mul3A_301, %add3A_186 : i32
          %dma_start3A = arith.constant 0 : i32
          %dma_start3A_303 = arith.constant 0 : i32
          %dma_start3A_304 = tpu.memref_slice %arg10[%dma_start3A, %dma_start3A_303] : memref<160x128xf32, #tpu.memory_space<vmem>> -> memref<80x128xf32, #tpu.memory_space<vmem>>
          %dma_start3A_305 = arith.constant 0 : i32
          %dma_start3A_306 = tpu.memref_slice %arg8[%mul3A_302, %dma_start3A_305] : memref<50x80xi32, #tpu.memory_space<vmem>> -> memref<1x80xi32, #tpu.memory_space<vmem>>
          %dma_start3A_307 = tpu.memref_squeeze %dma_start3A_306 : memref<1x80xi32, #tpu.memory_space<vmem>> -> memref<80xi32, #tpu.memory_space<vmem>>
          %dma_start3A_308 = arith.constant 0 : i32
          %dma_start3A_309 = arith.constant 0 : i32
          %dma_start3A_310 = tpu.memref_slice %arg15[%dma_start3A_308, %dma_start3A_309] : memref<2048x128xf32, #tpu.memory_space<vmem_shared>> -> memref<2048x128xf32, #tpu.memory_space<vmem_shared>>
          tpu.enqueue_indirect_dma source(%dma_start3A_304 : memref<80x128xf32, #tpu.memory_space<vmem>>) target(%dma_start3A_310 : memref<2048x128xf32, #tpu.memory_space<vmem_shared>>) offsets(%dma_start3A_307 : memref<80xi32, #tpu.memory_space<vmem>>) semaphore(%arg23 : memref<!tpu.dma_semaphore, #tpu.memory_space<semaphore_mem>>) {add = true}
          %mul3A_311 = arith.constant 2 : i32
          %mul3A_312 = arith.muli %mul3A_311, %add3A_186 : i32
          %add3A_313 = arith.constant 1 : i32
          %add3A_314 = arith.addi %mul3A_312, %add3A_313 : i32
          %dma_start3A_315 = arith.constant 80 : i32
          %dma_start3A_316 = arith.constant 0 : i32
          %dma_start3A_317 = tpu.memref_slice %arg10[%dma_start3A_315, %dma_start3A_316] : memref<160x128xf32, #tpu.memory_space<vmem>> -> memref<80x128xf32, #tpu.memory_space<vmem>>
          %dma_start3A_318 = arith.constant 0 : i32
          %dma_start3A_319 = tpu.memref_slice %arg8[%add3A_314, %dma_start3A_318] : memref<50x80xi32, #tpu.memory_space<vmem>> -> memref<1x80xi32, #tpu.memory_space<vmem>>
          %dma_start3A_320 = tpu.memref_squeeze %dma_start3A_319 : memref<1x80xi32, #tpu.memory_space<vmem>> -> memref<80xi32, #tpu.memory_space<vmem>>
          %dma_start3A_321 = arith.constant 0 : i32
          %dma_start3A_322 = arith.constant 0 : i32
          %dma_start3A_323 = tpu.memref_slice %arg15[%dma_start3A_321, %dma_start3A_322] : memref<2048x128xf32, #tpu.memory_space<vmem_shared>> -> memref<2048x128xf32, #tpu.memory_space<vmem_shared>>
          tpu.enqueue_indirect_dma source(%dma_start3A_317 : memref<80x128xf32, #tpu.memory_space<vmem>>) target(%dma_start3A_323 : memref<2048x128xf32, #tpu.memory_space<vmem_shared>>) offsets(%dma_start3A_320 : memref<80xi32, #tpu.memory_space<vmem>>) semaphore(%arg23 : memref<!tpu.dma_semaphore, #tpu.memory_space<semaphore_mem>>) {add = true}
          %dma_start3A_324 = arith.constant 0 : i32
          %dma_start3A_325 = tpu.memref_slice %arg7[%add3A_186, %dma_start3A_324] : memref<25x80xi32, #tpu.memory_space<vmem>> -> memref<1x80xi32, #tpu.memory_space<vmem>>
          %dma_start3A_326 = tpu.memref_squeeze %dma_start3A_325 : memref<1x80xi32, #tpu.memory_space<vmem>> -> memref<80xi32, #tpu.memory_space<vmem>>
          %dma_start3A_327 = arith.constant 0 : i32
          %dma_start3A_328 = arith.constant 0 : i32
          %dma_start3A_329 = tpu.memref_slice %arg16[%dma_start3A_327, %dma_start3A_328] : memref<1024x16xf32, #tpu.memory_space<vmem_shared>> -> memref<1024x16xf32, #tpu.memory_space<vmem_shared>>
          tpu.enqueue_indirect_dma source(%arg14 : memref<80x16xf32, #tpu.memory_space<vmem>>) target(%dma_start3A_329 : memref<1024x16xf32, #tpu.memory_space<vmem_shared>>) offsets(%dma_start3A_326 : memref<80xi32, #tpu.memory_space<vmem>>) semaphore(%arg23 : memref<!tpu.dma_semaphore, #tpu.memory_space<semaphore_mem>>) {add = true}
          %ge3A = arith.constant 1 : i32
          %ge3A_330 = arith.cmpi sge, %add3A_186, %ge3A : i32
          %convert_element_type3A_331 = arith.extui %ge3A_330 : i1 to i32
          %cond3A_332 = arith.constant 0 : i32
          %cond3A_333 = arith.cmpi ne, %convert_element_type3A_331, %cond3A_332 : i32
          scf.if %cond3A_333 {
            %dma_wait3A_342 = arith.constant 0 : i32
            %dma_wait3A_343 = arith.constant 0 : i32
            %dma_wait3A_344 = tpu.memref_slice %arg2[%dma_wait3A_342, %dma_wait3A_343] : memref<200000x128xf32, #tpu.memory_space<hbm>> -> memref<160x128xf32, #tpu.memory_space<hbm>>
            %dma_wait3A_345 = arith.constant 0 : i32
            %dma_wait3A_346 = arith.constant 0 : i32
            %dma_wait3A_347 = tpu.memref_slice %arg2[%dma_wait3A_345, %dma_wait3A_346] : memref<200000x128xf32, #tpu.memory_space<hbm>> -> memref<160x128xf32, #tpu.memory_space<hbm>>
            tpu.wait_dma2 semaphore(%arg22 : memref<!tpu.dma_semaphore, #tpu.memory_space<semaphore_mem>>) src(%dma_wait3A_347 : memref<160x128xf32, #tpu.memory_space<hbm>>) dst(%arg9 : memref<160x128xf32, #tpu.memory_space<vmem>>)
            %dma_wait3A_348 = arith.constant 0 : i32
            %dma_wait3A_349 = arith.constant 0 : i32
            %dma_wait3A_350 = tpu.memref_slice %arg9[%dma_wait3A_348, %dma_wait3A_349] : memref<160x128xf32, #tpu.memory_space<vmem>> -> memref<10x128xf32, #tpu.memory_space<vmem>>
            %dma_wait3A_351 = arith.constant 0 : i32
            %dma_wait3A_352 = arith.constant 0 : i32
            %dma_wait3A_353 = tpu.memref_slice %arg2[%dma_wait3A_351, %dma_wait3A_352] : memref<200000x128xf32, #tpu.memory_space<hbm>> -> memref<10x128xf32, #tpu.memory_space<hbm>>
            %dma_wait3A_354 = arith.constant 0 : i32
            %dma_wait3A_355 = arith.constant 0 : i32
            %dma_wait3A_356 = tpu.memref_slice %arg9[%dma_wait3A_354, %dma_wait3A_355] : memref<160x128xf32, #tpu.memory_space<vmem>> -> memref<10x128xf32, #tpu.memory_space<vmem>>
            %dma_wait3A_357 = arith.constant 0 : i32
            %dma_wait3A_358 = arith.constant 0 : i32
            %dma_wait3A_359 = tpu.memref_slice %arg2[%dma_wait3A_357, %dma_wait3A_358] : memref<200000x128xf32, #tpu.memory_space<hbm>> -> memref<10x128xf32, #tpu.memory_space<hbm>>
            tpu.wait_dma2 semaphore(%arg22 : memref<!tpu.dma_semaphore, #tpu.memory_space<semaphore_mem>>) src(%dma_wait3A_359 : memref<10x128xf32, #tpu.memory_space<hbm>>) dst(%dma_wait3A_356 : memref<10x128xf32, #tpu.memory_space<vmem>>)
          } else {
          }
          %add3A_334 = arith.constant 5 : i32
          %add3A_335 = arith.addi %add3A_186, %add3A_334 : i32
          %sub3A_336 = arith.constant 1 : i32
          %sub3A_337 = arith.subi %add3A_335, %sub3A_336 : i32
          %lt3A_338 = arith.cmpi slt, %sub3A_337, %min3A_21 : i32
          %convert_element_type3A_339 = arith.extui %lt3A_338 : i1 to i32
          %cond3A_340 = arith.constant 0 : i32
          %cond3A_341 = arith.cmpi ne, %convert_element_type3A_339, %cond3A_340 : i32
          scf.if %cond3A_341 {
            %mul3A_342 = arith.constant 25 : i32
            %mul3A_343 = arith.muli %add3A, %mul3A_342 : i32
            %add3A_344 = arith.addi %mul3A_343, %add3A_186 : i32
            %add3A_345 = arith.constant 5 : i32
            %add3A_346 = arith.addi %add3A_344, %add3A_345 : i32
            %sub3A_347 = arith.constant 1 : i32
            %sub3A_348 = arith.subi %add3A_346, %sub3A_347 : i32
            %mul3A_349 = arith.constant 160 : i32
            %mul3A_350 = arith.muli %sub3A_348, %mul3A_349 : i32
            %dma_start3A_351 = arith.constant 0 : i32
            %dma_start3A_352 = tpu.memref_slice %arg2[%mul3A_350, %dma_start3A_351] : memref<200000x128xf32, #tpu.memory_space<hbm>> -> memref<160x128xf32, #tpu.memory_space<hbm>>
            %dma_start3A_353 = arith.constant 0 : i32
            %dma_start3A_354 = tpu.memref_slice %arg2[%mul3A_350, %dma_start3A_353] : memref<200000x128xf32, #tpu.memory_space<hbm>> -> memref<160x128xf32, #tpu.memory_space<hbm>>
            tpu.enqueue_dma source(%dma_start3A_354 : memref<160x128xf32, #tpu.memory_space<hbm>>) target(%arg9 : memref<160x128xf32, #tpu.memory_space<vmem>>) target_semaphore(%arg17 : memref<!tpu.dma_semaphore, #tpu.memory_space<semaphore_mem>>)
          } else {
          }
        } else {
        }
        %jit3A_233 = arith.constant 5 : i32
        %eq3A_234 = arith.constant 0 : i32
        %eq3A_235 = arith.cmpi eq, %jit3A_233, %eq3A_234 : i32
        %jit3A_236 = arith.constant 1 : i32
        %select_n3A_237 = arith.select %eq3A_235, %jit3A_236, %jit3A_233 : i32
        %rem3A_238 = arith.remsi %add3A_186, %select_n3A_237 : i32
        %ne3A_239 = arith.constant 0 : i32
        %ne3A_240 = arith.cmpi ne, %rem3A_238, %ne3A_239 : i32
        %lt3A_241 = arith.constant 0 : i32
        %lt3A_242 = arith.cmpi slt, %rem3A_238, %lt3A_241 : i32
        %lt3A_243 = arith.constant 0 : i32
        %lt3A_244 = arith.cmpi slt, %select_n3A_237, %lt3A_243 : i32
        %ne3A_245 = arith.xori %lt3A_242, %lt3A_244 : i1
        %and3A_246 = arith.andi %ne3A_245, %ne3A_240 : i1
        %add3A_247 = arith.addi %rem3A_238, %select_n3A_237 : i32
        %select_n3A_248 = arith.select %and3A_246, %add3A_247, %rem3A_238 : i32
        %eq3A_249 = arith.constant 2 : i32
        %eq3A_250 = arith.cmpi eq, %select_n3A_248, %eq3A_249 : i32
        %convert_element_type3A_251 = arith.extui %eq3A_250 : i1 to i32
        %cond3A_252 = arith.constant 0 : i32
        %cond3A_253 = arith.cmpi ne, %convert_element_type3A_251, %cond3A_252 : i32
        scf.if %cond3A_253 {
          %dma_wait3A = arith.constant 0 : i32
          %dma_wait3A_296 = arith.constant 0 : i32
          %dma_wait3A_297 = tpu.memref_slice %arg2[%dma_wait3A, %dma_wait3A_296] : memref<200000x128xf32, #tpu.memory_space<hbm>> -> memref<160x128xf32, #tpu.memory_space<hbm>>
          %dma_wait3A_298 = arith.constant 0 : i32
          %dma_wait3A_299 = arith.constant 0 : i32
          %dma_wait3A_300 = tpu.memref_slice %arg2[%dma_wait3A_298, %dma_wait3A_299] : memref<200000x128xf32, #tpu.memory_space<hbm>> -> memref<160x128xf32, #tpu.memory_space<hbm>>
          tpu.wait_dma2 semaphore(%arg19 : memref<!tpu.dma_semaphore, #tpu.memory_space<semaphore_mem>>) src(%dma_wait3A_300 : memref<160x128xf32, #tpu.memory_space<hbm>>) dst(%arg11 : memref<160x128xf32, #tpu.memory_space<vmem>>)
          %mul3A_301 = arith.constant 2 : i32
          %mul3A_302 = arith.muli %mul3A_301, %add3A_186 : i32
          %dma_start3A = arith.constant 0 : i32
          %dma_start3A_303 = arith.constant 0 : i32
          %dma_start3A_304 = tpu.memref_slice %arg11[%dma_start3A, %dma_start3A_303] : memref<160x128xf32, #tpu.memory_space<vmem>> -> memref<80x128xf32, #tpu.memory_space<vmem>>
          %dma_start3A_305 = arith.constant 0 : i32
          %dma_start3A_306 = tpu.memref_slice %arg8[%mul3A_302, %dma_start3A_305] : memref<50x80xi32, #tpu.memory_space<vmem>> -> memref<1x80xi32, #tpu.memory_space<vmem>>
          %dma_start3A_307 = tpu.memref_squeeze %dma_start3A_306 : memref<1x80xi32, #tpu.memory_space<vmem>> -> memref<80xi32, #tpu.memory_space<vmem>>
          %dma_start3A_308 = arith.constant 0 : i32
          %dma_start3A_309 = arith.constant 0 : i32
          %dma_start3A_310 = tpu.memref_slice %arg15[%dma_start3A_308, %dma_start3A_309] : memref<2048x128xf32, #tpu.memory_space<vmem_shared>> -> memref<2048x128xf32, #tpu.memory_space<vmem_shared>>
          tpu.enqueue_indirect_dma source(%dma_start3A_304 : memref<80x128xf32, #tpu.memory_space<vmem>>) target(%dma_start3A_310 : memref<2048x128xf32, #tpu.memory_space<vmem_shared>>) offsets(%dma_start3A_307 : memref<80xi32, #tpu.memory_space<vmem>>) semaphore(%arg24 : memref<!tpu.dma_semaphore, #tpu.memory_space<semaphore_mem>>) {add = true}
          %mul3A_311 = arith.constant 2 : i32
          %mul3A_312 = arith.muli %mul3A_311, %add3A_186 : i32
          %add3A_313 = arith.constant 1 : i32
          %add3A_314 = arith.addi %mul3A_312, %add3A_313 : i32
          %dma_start3A_315 = arith.constant 80 : i32
          %dma_start3A_316 = arith.constant 0 : i32
          %dma_start3A_317 = tpu.memref_slice %arg11[%dma_start3A_315, %dma_start3A_316] : memref<160x128xf32, #tpu.memory_space<vmem>> -> memref<80x128xf32, #tpu.memory_space<vmem>>
          %dma_start3A_318 = arith.constant 0 : i32
          %dma_start3A_319 = tpu.memref_slice %arg8[%add3A_314, %dma_start3A_318] : memref<50x80xi32, #tpu.memory_space<vmem>> -> memref<1x80xi32, #tpu.memory_space<vmem>>
          %dma_start3A_320 = tpu.memref_squeeze %dma_start3A_319 : memref<1x80xi32, #tpu.memory_space<vmem>> -> memref<80xi32, #tpu.memory_space<vmem>>
          %dma_start3A_321 = arith.constant 0 : i32
          %dma_start3A_322 = arith.constant 0 : i32
          %dma_start3A_323 = tpu.memref_slice %arg15[%dma_start3A_321, %dma_start3A_322] : memref<2048x128xf32, #tpu.memory_space<vmem_shared>> -> memref<2048x128xf32, #tpu.memory_space<vmem_shared>>
          tpu.enqueue_indirect_dma source(%dma_start3A_317 : memref<80x128xf32, #tpu.memory_space<vmem>>) target(%dma_start3A_323 : memref<2048x128xf32, #tpu.memory_space<vmem_shared>>) offsets(%dma_start3A_320 : memref<80xi32, #tpu.memory_space<vmem>>) semaphore(%arg24 : memref<!tpu.dma_semaphore, #tpu.memory_space<semaphore_mem>>) {add = true}
          %dma_start3A_324 = arith.constant 0 : i32
          %dma_start3A_325 = tpu.memref_slice %arg7[%add3A_186, %dma_start3A_324] : memref<25x80xi32, #tpu.memory_space<vmem>> -> memref<1x80xi32, #tpu.memory_space<vmem>>
          %dma_start3A_326 = tpu.memref_squeeze %dma_start3A_325 : memref<1x80xi32, #tpu.memory_space<vmem>> -> memref<80xi32, #tpu.memory_space<vmem>>
          %dma_start3A_327 = arith.constant 0 : i32
          %dma_start3A_328 = arith.constant 0 : i32
          %dma_start3A_329 = tpu.memref_slice %arg16[%dma_start3A_327, %dma_start3A_328] : memref<1024x16xf32, #tpu.memory_space<vmem_shared>> -> memref<1024x16xf32, #tpu.memory_space<vmem_shared>>
          tpu.enqueue_indirect_dma source(%arg14 : memref<80x16xf32, #tpu.memory_space<vmem>>) target(%dma_start3A_329 : memref<1024x16xf32, #tpu.memory_space<vmem_shared>>) offsets(%dma_start3A_326 : memref<80xi32, #tpu.memory_space<vmem>>) semaphore(%arg24 : memref<!tpu.dma_semaphore, #tpu.memory_space<semaphore_mem>>) {add = true}
          %ge3A = arith.constant 1 : i32
          %ge3A_330 = arith.cmpi sge, %add3A_186, %ge3A : i32
          %convert_element_type3A_331 = arith.extui %ge3A_330 : i1 to i32
          %cond3A_332 = arith.constant 0 : i32
          %cond3A_333 = arith.cmpi ne, %convert_element_type3A_331, %cond3A_332 : i32
          scf.if %cond3A_333 {
            %dma_wait3A_342 = arith.constant 0 : i32
            %dma_wait3A_343 = arith.constant 0 : i32
            %dma_wait3A_344 = tpu.memref_slice %arg2[%dma_wait3A_342, %dma_wait3A_343] : memref<200000x128xf32, #tpu.memory_space<hbm>> -> memref<160x128xf32, #tpu.memory_space<hbm>>
            %dma_wait3A_345 = arith.constant 0 : i32
            %dma_wait3A_346 = arith.constant 0 : i32
            %dma_wait3A_347 = tpu.memref_slice %arg2[%dma_wait3A_345, %dma_wait3A_346] : memref<200000x128xf32, #tpu.memory_space<hbm>> -> memref<160x128xf32, #tpu.memory_space<hbm>>
            tpu.wait_dma2 semaphore(%arg23 : memref<!tpu.dma_semaphore, #tpu.memory_space<semaphore_mem>>) src(%dma_wait3A_347 : memref<160x128xf32, #tpu.memory_space<hbm>>) dst(%arg10 : memref<160x128xf32, #tpu.memory_space<vmem>>)
            %dma_wait3A_348 = arith.constant 0 : i32
            %dma_wait3A_349 = arith.constant 0 : i32
            %dma_wait3A_350 = tpu.memref_slice %arg10[%dma_wait3A_348, %dma_wait3A_349] : memref<160x128xf32, #tpu.memory_space<vmem>> -> memref<10x128xf32, #tpu.memory_space<vmem>>
            %dma_wait3A_351 = arith.constant 0 : i32
            %dma_wait3A_352 = arith.constant 0 : i32
            %dma_wait3A_353 = tpu.memref_slice %arg2[%dma_wait3A_351, %dma_wait3A_352] : memref<200000x128xf32, #tpu.memory_space<hbm>> -> memref<10x128xf32, #tpu.memory_space<hbm>>
            %dma_wait3A_354 = arith.constant 0 : i32
            %dma_wait3A_355 = arith.constant 0 : i32
            %dma_wait3A_356 = tpu.memref_slice %arg10[%dma_wait3A_354, %dma_wait3A_355] : memref<160x128xf32, #tpu.memory_space<vmem>> -> memref<10x128xf32, #tpu.memory_space<vmem>>
            %dma_wait3A_357 = arith.constant 0 : i32
            %dma_wait3A_358 = arith.constant 0 : i32
            %dma_wait3A_359 = tpu.memref_slice %arg2[%dma_wait3A_357, %dma_wait3A_358] : memref<200000x128xf32, #tpu.memory_space<hbm>> -> memref<10x128xf32, #tpu.memory_space<hbm>>
            tpu.wait_dma2 semaphore(%arg23 : memref<!tpu.dma_semaphore, #tpu.memory_space<semaphore_mem>>) src(%dma_wait3A_359 : memref<10x128xf32, #tpu.memory_space<hbm>>) dst(%dma_wait3A_356 : memref<10x128xf32, #tpu.memory_space<vmem>>)
          } else {
          }
          %add3A_334 = arith.constant 5 : i32
          %add3A_335 = arith.addi %add3A_186, %add3A_334 : i32
          %sub3A_336 = arith.constant 1 : i32
          %sub3A_337 = arith.subi %add3A_335, %sub3A_336 : i32
          %lt3A_338 = arith.cmpi slt, %sub3A_337, %min3A_21 : i32
          %convert_element_type3A_339 = arith.extui %lt3A_338 : i1 to i32
          %cond3A_340 = arith.constant 0 : i32
          %cond3A_341 = arith.cmpi ne, %convert_element_type3A_339, %cond3A_340 : i32
          scf.if %cond3A_341 {
            %mul3A_342 = arith.constant 25 : i32
            %mul3A_343 = arith.muli %add3A, %mul3A_342 : i32
            %add3A_344 = arith.addi %mul3A_343, %add3A_186 : i32
            %add3A_345 = arith.constant 5 : i32
            %add3A_346 = arith.addi %add3A_344, %add3A_345 : i32
            %sub3A_347 = arith.constant 1 : i32
            %sub3A_348 = arith.subi %add3A_346, %sub3A_347 : i32
            %mul3A_349 = arith.constant 160 : i32
            %mul3A_350 = arith.muli %sub3A_348, %mul3A_349 : i32
            %dma_start3A_351 = arith.constant 0 : i32
            %dma_start3A_352 = tpu.memref_slice %arg2[%mul3A_350, %dma_start3A_351] : memref<200000x128xf32, #tpu.memory_space<hbm>> -> memref<160x128xf32, #tpu.memory_space<hbm>>
            %dma_start3A_353 = arith.constant 0 : i32
            %dma_start3A_354 = tpu.memref_slice %arg2[%mul3A_350, %dma_start3A_353] : memref<200000x128xf32, #tpu.memory_space<hbm>> -> memref<160x128xf32, #tpu.memory_space<hbm>>
            tpu.enqueue_dma source(%dma_start3A_354 : memref<160x128xf32, #tpu.memory_space<hbm>>) target(%arg10 : memref<160x128xf32, #tpu.memory_space<vmem>>) target_semaphore(%arg18 : memref<!tpu.dma_semaphore, #tpu.memory_space<semaphore_mem>>)
          } else {
          }
        } else {
        }
        %jit3A_254 = arith.constant 5 : i32
        %eq3A_255 = arith.constant 0 : i32
        %eq3A_256 = arith.cmpi eq, %jit3A_254, %eq3A_255 : i32
        %jit3A_257 = arith.constant 1 : i32
        %select_n3A_258 = arith.select %eq3A_256, %jit3A_257, %jit3A_254 : i32
        %rem3A_259 = arith.remsi %add3A_186, %select_n3A_258 : i32
        %ne3A_260 = arith.constant 0 : i32
        %ne3A_261 = arith.cmpi ne, %rem3A_259, %ne3A_260 : i32
        %lt3A_262 = arith.constant 0 : i32
        %lt3A_263 = arith.cmpi slt, %rem3A_259, %lt3A_262 : i32
        %lt3A_264 = arith.constant 0 : i32
        %lt3A_265 = arith.cmpi slt, %select_n3A_258, %lt3A_264 : i32
        %ne3A_266 = arith.xori %lt3A_263, %lt3A_265 : i1
        %and3A_267 = arith.andi %ne3A_266, %ne3A_261 : i1
        %add3A_268 = arith.addi %rem3A_259, %select_n3A_258 : i32
        %select_n3A_269 = arith.select %and3A_267, %add3A_268, %rem3A_259 : i32
        %eq3A_270 = arith.constant 3 : i32
        %eq3A_271 = arith.cmpi eq, %select_n3A_269, %eq3A_270 : i32
        %convert_element_type3A_272 = arith.extui %eq3A_271 : i1 to i32
        %cond3A_273 = arith.constant 0 : i32
        %cond3A_274 = arith.cmpi ne, %convert_element_type3A_272, %cond3A_273 : i32
        scf.if %cond3A_274 {
          %dma_wait3A = arith.constant 0 : i32
          %dma_wait3A_296 = arith.constant 0 : i32
          %dma_wait3A_297 = tpu.memref_slice %arg2[%dma_wait3A, %dma_wait3A_296] : memref<200000x128xf32, #tpu.memory_space<hbm>> -> memref<160x128xf32, #tpu.memory_space<hbm>>
          %dma_wait3A_298 = arith.constant 0 : i32
          %dma_wait3A_299 = arith.constant 0 : i32
          %dma_wait3A_300 = tpu.memref_slice %arg2[%dma_wait3A_298, %dma_wait3A_299] : memref<200000x128xf32, #tpu.memory_space<hbm>> -> memref<160x128xf32, #tpu.memory_space<hbm>>
          tpu.wait_dma2 semaphore(%arg20 : memref<!tpu.dma_semaphore, #tpu.memory_space<semaphore_mem>>) src(%dma_wait3A_300 : memref<160x128xf32, #tpu.memory_space<hbm>>) dst(%arg12 : memref<160x128xf32, #tpu.memory_space<vmem>>)
          %mul3A_301 = arith.constant 2 : i32
          %mul3A_302 = arith.muli %mul3A_301, %add3A_186 : i32
          %dma_start3A = arith.constant 0 : i32
          %dma_start3A_303 = arith.constant 0 : i32
          %dma_start3A_304 = tpu.memref_slice %arg12[%dma_start3A, %dma_start3A_303] : memref<160x128xf32, #tpu.memory_space<vmem>> -> memref<80x128xf32, #tpu.memory_space<vmem>>
          %dma_start3A_305 = arith.constant 0 : i32
          %dma_start3A_306 = tpu.memref_slice %arg8[%mul3A_302, %dma_start3A_305] : memref<50x80xi32, #tpu.memory_space<vmem>> -> memref<1x80xi32, #tpu.memory_space<vmem>>
          %dma_start3A_307 = tpu.memref_squeeze %dma_start3A_306 : memref<1x80xi32, #tpu.memory_space<vmem>> -> memref<80xi32, #tpu.memory_space<vmem>>
          %dma_start3A_308 = arith.constant 0 : i32
          %dma_start3A_309 = arith.constant 0 : i32
          %dma_start3A_310 = tpu.memref_slice %arg15[%dma_start3A_308, %dma_start3A_309] : memref<2048x128xf32, #tpu.memory_space<vmem_shared>> -> memref<2048x128xf32, #tpu.memory_space<vmem_shared>>
          tpu.enqueue_indirect_dma source(%dma_start3A_304 : memref<80x128xf32, #tpu.memory_space<vmem>>) target(%dma_start3A_310 : memref<2048x128xf32, #tpu.memory_space<vmem_shared>>) offsets(%dma_start3A_307 : memref<80xi32, #tpu.memory_space<vmem>>) semaphore(%arg25 : memref<!tpu.dma_semaphore, #tpu.memory_space<semaphore_mem>>) {add = true}
          %mul3A_311 = arith.constant 2 : i32
          %mul3A_312 = arith.muli %mul3A_311, %add3A_186 : i32
          %add3A_313 = arith.constant 1 : i32
          %add3A_314 = arith.addi %mul3A_312, %add3A_313 : i32
          %dma_start3A_315 = arith.constant 80 : i32
          %dma_start3A_316 = arith.constant 0 : i32
          %dma_start3A_317 = tpu.memref_slice %arg12[%dma_start3A_315, %dma_start3A_316] : memref<160x128xf32, #tpu.memory_space<vmem>> -> memref<80x128xf32, #tpu.memory_space<vmem>>
          %dma_start3A_318 = arith.constant 0 : i32
          %dma_start3A_319 = tpu.memref_slice %arg8[%add3A_314, %dma_start3A_318] : memref<50x80xi32, #tpu.memory_space<vmem>> -> memref<1x80xi32, #tpu.memory_space<vmem>>
          %dma_start3A_320 = tpu.memref_squeeze %dma_start3A_319 : memref<1x80xi32, #tpu.memory_space<vmem>> -> memref<80xi32, #tpu.memory_space<vmem>>
          %dma_start3A_321 = arith.constant 0 : i32
          %dma_start3A_322 = arith.constant 0 : i32
          %dma_start3A_323 = tpu.memref_slice %arg15[%dma_start3A_321, %dma_start3A_322] : memref<2048x128xf32, #tpu.memory_space<vmem_shared>> -> memref<2048x128xf32, #tpu.memory_space<vmem_shared>>
          tpu.enqueue_indirect_dma source(%dma_start3A_317 : memref<80x128xf32, #tpu.memory_space<vmem>>) target(%dma_start3A_323 : memref<2048x128xf32, #tpu.memory_space<vmem_shared>>) offsets(%dma_start3A_320 : memref<80xi32, #tpu.memory_space<vmem>>) semaphore(%arg25 : memref<!tpu.dma_semaphore, #tpu.memory_space<semaphore_mem>>) {add = true}
          %dma_start3A_324 = arith.constant 0 : i32
          %dma_start3A_325 = tpu.memref_slice %arg7[%add3A_186, %dma_start3A_324] : memref<25x80xi32, #tpu.memory_space<vmem>> -> memref<1x80xi32, #tpu.memory_space<vmem>>
          %dma_start3A_326 = tpu.memref_squeeze %dma_start3A_325 : memref<1x80xi32, #tpu.memory_space<vmem>> -> memref<80xi32, #tpu.memory_space<vmem>>
          %dma_start3A_327 = arith.constant 0 : i32
          %dma_start3A_328 = arith.constant 0 : i32
          %dma_start3A_329 = tpu.memref_slice %arg16[%dma_start3A_327, %dma_start3A_328] : memref<1024x16xf32, #tpu.memory_space<vmem_shared>> -> memref<1024x16xf32, #tpu.memory_space<vmem_shared>>
          tpu.enqueue_indirect_dma source(%arg14 : memref<80x16xf32, #tpu.memory_space<vmem>>) target(%dma_start3A_329 : memref<1024x16xf32, #tpu.memory_space<vmem_shared>>) offsets(%dma_start3A_326 : memref<80xi32, #tpu.memory_space<vmem>>) semaphore(%arg25 : memref<!tpu.dma_semaphore, #tpu.memory_space<semaphore_mem>>) {add = true}
          %ge3A = arith.constant 1 : i32
          %ge3A_330 = arith.cmpi sge, %add3A_186, %ge3A : i32
          %convert_element_type3A_331 = arith.extui %ge3A_330 : i1 to i32
          %cond3A_332 = arith.constant 0 : i32
          %cond3A_333 = arith.cmpi ne, %convert_element_type3A_331, %cond3A_332 : i32
          scf.if %cond3A_333 {
            %dma_wait3A_342 = arith.constant 0 : i32
            %dma_wait3A_343 = arith.constant 0 : i32
            %dma_wait3A_344 = tpu.memref_slice %arg2[%dma_wait3A_342, %dma_wait3A_343] : memref<200000x128xf32, #tpu.memory_space<hbm>> -> memref<160x128xf32, #tpu.memory_space<hbm>>
            %dma_wait3A_345 = arith.constant 0 : i32
            %dma_wait3A_346 = arith.constant 0 : i32
            %dma_wait3A_347 = tpu.memref_slice %arg2[%dma_wait3A_345, %dma_wait3A_346] : memref<200000x128xf32, #tpu.memory_space<hbm>> -> memref<160x128xf32, #tpu.memory_space<hbm>>
            tpu.wait_dma2 semaphore(%arg24 : memref<!tpu.dma_semaphore, #tpu.memory_space<semaphore_mem>>) src(%dma_wait3A_347 : memref<160x128xf32, #tpu.memory_space<hbm>>) dst(%arg11 : memref<160x128xf32, #tpu.memory_space<vmem>>)
            %dma_wait3A_348 = arith.constant 0 : i32
            %dma_wait3A_349 = arith.constant 0 : i32
            %dma_wait3A_350 = tpu.memref_slice %arg11[%dma_wait3A_348, %dma_wait3A_349] : memref<160x128xf32, #tpu.memory_space<vmem>> -> memref<10x128xf32, #tpu.memory_space<vmem>>
            %dma_wait3A_351 = arith.constant 0 : i32
            %dma_wait3A_352 = arith.constant 0 : i32
            %dma_wait3A_353 = tpu.memref_slice %arg2[%dma_wait3A_351, %dma_wait3A_352] : memref<200000x128xf32, #tpu.memory_space<hbm>> -> memref<10x128xf32, #tpu.memory_space<hbm>>
            %dma_wait3A_354 = arith.constant 0 : i32
            %dma_wait3A_355 = arith.constant 0 : i32
            %dma_wait3A_356 = tpu.memref_slice %arg11[%dma_wait3A_354, %dma_wait3A_355] : memref<160x128xf32, #tpu.memory_space<vmem>> -> memref<10x128xf32, #tpu.memory_space<vmem>>
            %dma_wait3A_357 = arith.constant 0 : i32
            %dma_wait3A_358 = arith.constant 0 : i32
            %dma_wait3A_359 = tpu.memref_slice %arg2[%dma_wait3A_357, %dma_wait3A_358] : memref<200000x128xf32, #tpu.memory_space<hbm>> -> memref<10x128xf32, #tpu.memory_space<hbm>>
            tpu.wait_dma2 semaphore(%arg24 : memref<!tpu.dma_semaphore, #tpu.memory_space<semaphore_mem>>) src(%dma_wait3A_359 : memref<10x128xf32, #tpu.memory_space<hbm>>) dst(%dma_wait3A_356 : memref<10x128xf32, #tpu.memory_space<vmem>>)
          } else {
          }
          %add3A_334 = arith.constant 5 : i32
          %add3A_335 = arith.addi %add3A_186, %add3A_334 : i32
          %sub3A_336 = arith.constant 1 : i32
          %sub3A_337 = arith.subi %add3A_335, %sub3A_336 : i32
          %lt3A_338 = arith.cmpi slt, %sub3A_337, %min3A_21 : i32
          %convert_element_type3A_339 = arith.extui %lt3A_338 : i1 to i32
          %cond3A_340 = arith.constant 0 : i32
          %cond3A_341 = arith.cmpi ne, %convert_element_type3A_339, %cond3A_340 : i32
          scf.if %cond3A_341 {
            %mul3A_342 = arith.constant 25 : i32
            %mul3A_343 = arith.muli %add3A, %mul3A_342 : i32
            %add3A_344 = arith.addi %mul3A_343, %add3A_186 : i32
            %add3A_345 = arith.constant 5 : i32
            %add3A_346 = arith.addi %add3A_344, %add3A_345 : i32
            %sub3A_347 = arith.constant 1 : i32
            %sub3A_348 = arith.subi %add3A_346, %sub3A_347 : i32
            %mul3A_349 = arith.constant 160 : i32
            %mul3A_350 = arith.muli %sub3A_348, %mul3A_349 : i32
            %dma_start3A_351 = arith.constant 0 : i32
            %dma_start3A_352 = tpu.memref_slice %arg2[%mul3A_350, %dma_start3A_351] : memref<200000x128xf32, #tpu.memory_space<hbm>> -> memref<160x128xf32, #tpu.memory_space<hbm>>
            %dma_start3A_353 = arith.constant 0 : i32
            %dma_start3A_354 = tpu.memref_slice %arg2[%mul3A_350, %dma_start3A_353] : memref<200000x128xf32, #tpu.memory_space<hbm>> -> memref<160x128xf32, #tpu.memory_space<hbm>>
            tpu.enqueue_dma source(%dma_start3A_354 : memref<160x128xf32, #tpu.memory_space<hbm>>) target(%arg11 : memref<160x128xf32, #tpu.memory_space<vmem>>) target_semaphore(%arg19 : memref<!tpu.dma_semaphore, #tpu.memory_space<semaphore_mem>>)
          } else {
          }
        } else {
        }
        %jit3A_275 = arith.constant 5 : i32
        %eq3A_276 = arith.constant 0 : i32
        %eq3A_277 = arith.cmpi eq, %jit3A_275, %eq3A_276 : i32
        %jit3A_278 = arith.constant 1 : i32
        %select_n3A_279 = arith.select %eq3A_277, %jit3A_278, %jit3A_275 : i32
        %rem3A_280 = arith.remsi %add3A_186, %select_n3A_279 : i32
        %ne3A_281 = arith.constant 0 : i32
        %ne3A_282 = arith.cmpi ne, %rem3A_280, %ne3A_281 : i32
        %lt3A_283 = arith.constant 0 : i32
        %lt3A_284 = arith.cmpi slt, %rem3A_280, %lt3A_283 : i32
        %lt3A_285 = arith.constant 0 : i32
        %lt3A_286 = arith.cmpi slt, %select_n3A_279, %lt3A_285 : i32
        %ne3A_287 = arith.xori %lt3A_284, %lt3A_286 : i1
        %and3A_288 = arith.andi %ne3A_287, %ne3A_282 : i1
        %add3A_289 = arith.addi %rem3A_280, %select_n3A_279 : i32
        %select_n3A_290 = arith.select %and3A_288, %add3A_289, %rem3A_280 : i32
        %eq3A_291 = arith.constant 4 : i32
        %eq3A_292 = arith.cmpi eq, %select_n3A_290, %eq3A_291 : i32
        %convert_element_type3A_293 = arith.extui %eq3A_292 : i1 to i32
        %cond3A_294 = arith.constant 0 : i32
        %cond3A_295 = arith.cmpi ne, %convert_element_type3A_293, %cond3A_294 : i32
        scf.if %cond3A_295 {
          %dma_wait3A = arith.constant 0 : i32
          %dma_wait3A_296 = arith.constant 0 : i32
          %dma_wait3A_297 = tpu.memref_slice %arg2[%dma_wait3A, %dma_wait3A_296] : memref<200000x128xf32, #tpu.memory_space<hbm>> -> memref<160x128xf32, #tpu.memory_space<hbm>>
          %dma_wait3A_298 = arith.constant 0 : i32
          %dma_wait3A_299 = arith.constant 0 : i32
          %dma_wait3A_300 = tpu.memref_slice %arg2[%dma_wait3A_298, %dma_wait3A_299] : memref<200000x128xf32, #tpu.memory_space<hbm>> -> memref<160x128xf32, #tpu.memory_space<hbm>>
          tpu.wait_dma2 semaphore(%arg21 : memref<!tpu.dma_semaphore, #tpu.memory_space<semaphore_mem>>) src(%dma_wait3A_300 : memref<160x128xf32, #tpu.memory_space<hbm>>) dst(%arg13 : memref<160x128xf32, #tpu.memory_space<vmem>>)
          %mul3A_301 = arith.constant 2 : i32
          %mul3A_302 = arith.muli %mul3A_301, %add3A_186 : i32
          %dma_start3A = arith.constant 0 : i32
          %dma_start3A_303 = arith.constant 0 : i32
          %dma_start3A_304 = tpu.memref_slice %arg13[%dma_start3A, %dma_start3A_303] : memref<160x128xf32, #tpu.memory_space<vmem>> -> memref<80x128xf32, #tpu.memory_space<vmem>>
          %dma_start3A_305 = arith.constant 0 : i32
          %dma_start3A_306 = tpu.memref_slice %arg8[%mul3A_302, %dma_start3A_305] : memref<50x80xi32, #tpu.memory_space<vmem>> -> memref<1x80xi32, #tpu.memory_space<vmem>>
          %dma_start3A_307 = tpu.memref_squeeze %dma_start3A_306 : memref<1x80xi32, #tpu.memory_space<vmem>> -> memref<80xi32, #tpu.memory_space<vmem>>
          %dma_start3A_308 = arith.constant 0 : i32
          %dma_start3A_309 = arith.constant 0 : i32
          %dma_start3A_310 = tpu.memref_slice %arg15[%dma_start3A_308, %dma_start3A_309] : memref<2048x128xf32, #tpu.memory_space<vmem_shared>> -> memref<2048x128xf32, #tpu.memory_space<vmem_shared>>
          tpu.enqueue_indirect_dma source(%dma_start3A_304 : memref<80x128xf32, #tpu.memory_space<vmem>>) target(%dma_start3A_310 : memref<2048x128xf32, #tpu.memory_space<vmem_shared>>) offsets(%dma_start3A_307 : memref<80xi32, #tpu.memory_space<vmem>>) semaphore(%arg26 : memref<!tpu.dma_semaphore, #tpu.memory_space<semaphore_mem>>) {add = true}
          %mul3A_311 = arith.constant 2 : i32
          %mul3A_312 = arith.muli %mul3A_311, %add3A_186 : i32
          %add3A_313 = arith.constant 1 : i32
          %add3A_314 = arith.addi %mul3A_312, %add3A_313 : i32
          %dma_start3A_315 = arith.constant 80 : i32
          %dma_start3A_316 = arith.constant 0 : i32
          %dma_start3A_317 = tpu.memref_slice %arg13[%dma_start3A_315, %dma_start3A_316] : memref<160x128xf32, #tpu.memory_space<vmem>> -> memref<80x128xf32, #tpu.memory_space<vmem>>
          %dma_start3A_318 = arith.constant 0 : i32
          %dma_start3A_319 = tpu.memref_slice %arg8[%add3A_314, %dma_start3A_318] : memref<50x80xi32, #tpu.memory_space<vmem>> -> memref<1x80xi32, #tpu.memory_space<vmem>>
          %dma_start3A_320 = tpu.memref_squeeze %dma_start3A_319 : memref<1x80xi32, #tpu.memory_space<vmem>> -> memref<80xi32, #tpu.memory_space<vmem>>
          %dma_start3A_321 = arith.constant 0 : i32
          %dma_start3A_322 = arith.constant 0 : i32
          %dma_start3A_323 = tpu.memref_slice %arg15[%dma_start3A_321, %dma_start3A_322] : memref<2048x128xf32, #tpu.memory_space<vmem_shared>> -> memref<2048x128xf32, #tpu.memory_space<vmem_shared>>
          tpu.enqueue_indirect_dma source(%dma_start3A_317 : memref<80x128xf32, #tpu.memory_space<vmem>>) target(%dma_start3A_323 : memref<2048x128xf32, #tpu.memory_space<vmem_shared>>) offsets(%dma_start3A_320 : memref<80xi32, #tpu.memory_space<vmem>>) semaphore(%arg26 : memref<!tpu.dma_semaphore, #tpu.memory_space<semaphore_mem>>) {add = true}
          %dma_start3A_324 = arith.constant 0 : i32
          %dma_start3A_325 = tpu.memref_slice %arg7[%add3A_186, %dma_start3A_324] : memref<25x80xi32, #tpu.memory_space<vmem>> -> memref<1x80xi32, #tpu.memory_space<vmem>>
          %dma_start3A_326 = tpu.memref_squeeze %dma_start3A_325 : memref<1x80xi32, #tpu.memory_space<vmem>> -> memref<80xi32, #tpu.memory_space<vmem>>
          %dma_start3A_327 = arith.constant 0 : i32
          %dma_start3A_328 = arith.constant 0 : i32
          %dma_start3A_329 = tpu.memref_slice %arg16[%dma_start3A_327, %dma_start3A_328] : memref<1024x16xf32, #tpu.memory_space<vmem_shared>> -> memref<1024x16xf32, #tpu.memory_space<vmem_shared>>
          tpu.enqueue_indirect_dma source(%arg14 : memref<80x16xf32, #tpu.memory_space<vmem>>) target(%dma_start3A_329 : memref<1024x16xf32, #tpu.memory_space<vmem_shared>>) offsets(%dma_start3A_326 : memref<80xi32, #tpu.memory_space<vmem>>) semaphore(%arg26 : memref<!tpu.dma_semaphore, #tpu.memory_space<semaphore_mem>>) {add = true}
          %ge3A = arith.constant 1 : i32
          %ge3A_330 = arith.cmpi sge, %add3A_186, %ge3A : i32
          %convert_element_type3A_331 = arith.extui %ge3A_330 : i1 to i32
          %cond3A_332 = arith.constant 0 : i32
          %cond3A_333 = arith.cmpi ne, %convert_element_type3A_331, %cond3A_332 : i32
          scf.if %cond3A_333 {
            %dma_wait3A_342 = arith.constant 0 : i32
            %dma_wait3A_343 = arith.constant 0 : i32
            %dma_wait3A_344 = tpu.memref_slice %arg2[%dma_wait3A_342, %dma_wait3A_343] : memref<200000x128xf32, #tpu.memory_space<hbm>> -> memref<160x128xf32, #tpu.memory_space<hbm>>
            %dma_wait3A_345 = arith.constant 0 : i32
            %dma_wait3A_346 = arith.constant 0 : i32
            %dma_wait3A_347 = tpu.memref_slice %arg2[%dma_wait3A_345, %dma_wait3A_346] : memref<200000x128xf32, #tpu.memory_space<hbm>> -> memref<160x128xf32, #tpu.memory_space<hbm>>
            tpu.wait_dma2 semaphore(%arg25 : memref<!tpu.dma_semaphore, #tpu.memory_space<semaphore_mem>>) src(%dma_wait3A_347 : memref<160x128xf32, #tpu.memory_space<hbm>>) dst(%arg12 : memref<160x128xf32, #tpu.memory_space<vmem>>)
            %dma_wait3A_348 = arith.constant 0 : i32
            %dma_wait3A_349 = arith.constant 0 : i32
            %dma_wait3A_350 = tpu.memref_slice %arg12[%dma_wait3A_348, %dma_wait3A_349] : memref<160x128xf32, #tpu.memory_space<vmem>> -> memref<10x128xf32, #tpu.memory_space<vmem>>
            %dma_wait3A_351 = arith.constant 0 : i32
            %dma_wait3A_352 = arith.constant 0 : i32
            %dma_wait3A_353 = tpu.memref_slice %arg2[%dma_wait3A_351, %dma_wait3A_352] : memref<200000x128xf32, #tpu.memory_space<hbm>> -> memref<10x128xf32, #tpu.memory_space<hbm>>
            %dma_wait3A_354 = arith.constant 0 : i32
            %dma_wait3A_355 = arith.constant 0 : i32
            %dma_wait3A_356 = tpu.memref_slice %arg12[%dma_wait3A_354, %dma_wait3A_355] : memref<160x128xf32, #tpu.memory_space<vmem>> -> memref<10x128xf32, #tpu.memory_space<vmem>>
            %dma_wait3A_357 = arith.constant 0 : i32
            %dma_wait3A_358 = arith.constant 0 : i32
            %dma_wait3A_359 = tpu.memref_slice %arg2[%dma_wait3A_357, %dma_wait3A_358] : memref<200000x128xf32, #tpu.memory_space<hbm>> -> memref<10x128xf32, #tpu.memory_space<hbm>>
            tpu.wait_dma2 semaphore(%arg25 : memref<!tpu.dma_semaphore, #tpu.memory_space<semaphore_mem>>) src(%dma_wait3A_359 : memref<10x128xf32, #tpu.memory_space<hbm>>) dst(%dma_wait3A_356 : memref<10x128xf32, #tpu.memory_space<vmem>>)
          } else {
          }
          %add3A_334 = arith.constant 5 : i32
          %add3A_335 = arith.addi %add3A_186, %add3A_334 : i32
          %sub3A_336 = arith.constant 1 : i32
          %sub3A_337 = arith.subi %add3A_335, %sub3A_336 : i32
          %lt3A_338 = arith.cmpi slt, %sub3A_337, %min3A_21 : i32
          %convert_element_type3A_339 = arith.extui %lt3A_338 : i1 to i32
          %cond3A_340 = arith.constant 0 : i32
          %cond3A_341 = arith.cmpi ne, %convert_element_type3A_339, %cond3A_340 : i32
          scf.if %cond3A_341 {
            %mul3A_342 = arith.constant 25 : i32
            %mul3A_343 = arith.muli %add3A, %mul3A_342 : i32
            %add3A_344 = arith.addi %mul3A_343, %add3A_186 : i32
            %add3A_345 = arith.constant 5 : i32
            %add3A_346 = arith.addi %add3A_344, %add3A_345 : i32
            %sub3A_347 = arith.constant 1 : i32
            %sub3A_348 = arith.subi %add3A_346, %sub3A_347 : i32
            %mul3A_349 = arith.constant 160 : i32
            %mul3A_350 = arith.muli %sub3A_348, %mul3A_349 : i32
            %dma_start3A_351 = arith.constant 0 : i32
            %dma_start3A_352 = tpu.memref_slice %arg2[%mul3A_350, %dma_start3A_351] : memref<200000x128xf32, #tpu.memory_space<hbm>> -> memref<160x128xf32, #tpu.memory_space<hbm>>
            %dma_start3A_353 = arith.constant 0 : i32
            %dma_start3A_354 = tpu.memref_slice %arg2[%mul3A_350, %dma_start3A_353] : memref<200000x128xf32, #tpu.memory_space<hbm>> -> memref<160x128xf32, #tpu.memory_space<hbm>>
            tpu.enqueue_dma source(%dma_start3A_354 : memref<160x128xf32, #tpu.memory_space<hbm>>) target(%arg12 : memref<160x128xf32, #tpu.memory_space<vmem>>) target_semaphore(%arg20 : memref<!tpu.dma_semaphore, #tpu.memory_space<semaphore_mem>>)
          } else {
          }
        } else {
        }
      } else {
      }
    }
    %scan3A_65 = arith.constant 25 : i32
    %sub3A_66 = arith.constant 1 : i32
    %sub3A_67 = arith.subi %min3A_21, %sub3A_66 : i32
    %jit3A_68 = arith.constant 5 : i32
    %eq3A_69 = arith.constant 0 : i32
    %eq3A_70 = arith.cmpi eq, %jit3A_68, %eq3A_69 : i32
    %jit3A_71 = arith.constant 1 : i32
    %select_n3A_72 = arith.select %eq3A_70, %jit3A_71, %jit3A_68 : i32
    %rem3A_73 = arith.remsi %sub3A_67, %select_n3A_72 : i32
    %ne3A_74 = arith.constant 0 : i32
    %ne3A_75 = arith.cmpi ne, %rem3A_73, %ne3A_74 : i32
    %lt3A_76 = arith.constant 0 : i32
    %lt3A_77 = arith.cmpi slt, %rem3A_73, %lt3A_76 : i32
    %lt3A_78 = arith.constant 0 : i32
    %lt3A_79 = arith.cmpi slt, %select_n3A_72, %lt3A_78 : i32
    %ne3A_80 = arith.xori %lt3A_77, %lt3A_79 : i1
    %and3A_81 = arith.andi %ne3A_80, %ne3A_75 : i1
    %add3A_82 = arith.addi %rem3A_73, %select_n3A_72 : i32
    %select_n3A_83 = arith.select %and3A_81, %add3A_82, %rem3A_73 : i32
    %eq3A_84 = arith.constant 0 : i32
    %eq3A_85 = arith.cmpi eq, %select_n3A_83, %eq3A_84 : i32
    %convert_element_type3A_86 = arith.extui %eq3A_85 : i1 to i32
    %cond3A_87 = arith.constant 0 : i32
    %cond3A_88 = arith.cmpi ne, %convert_element_type3A_86, %cond3A_87 : i32
    scf.if %cond3A_88 {
      %dma_wait3A = arith.constant 0 : i32
      %dma_wait3A_182 = arith.constant 0 : i32
      %dma_wait3A_183 = tpu.memref_slice %arg2[%dma_wait3A, %dma_wait3A_182] : memref<200000x128xf32, #tpu.memory_space<hbm>> -> memref<160x128xf32, #tpu.memory_space<hbm>>
      %dma_wait3A_184 = arith.constant 0 : i32
      %dma_wait3A_185 = arith.constant 0 : i32
      %dma_wait3A_186 = tpu.memref_slice %arg2[%dma_wait3A_184, %dma_wait3A_185] : memref<200000x128xf32, #tpu.memory_space<hbm>> -> memref<160x128xf32, #tpu.memory_space<hbm>>
      tpu.wait_dma2 semaphore(%arg22 : memref<!tpu.dma_semaphore, #tpu.memory_space<semaphore_mem>>) src(%dma_wait3A_186 : memref<160x128xf32, #tpu.memory_space<hbm>>) dst(%arg9 : memref<160x128xf32, #tpu.memory_space<vmem>>)
      %dma_wait3A_187 = arith.constant 0 : i32
      %dma_wait3A_188 = arith.constant 0 : i32
      %dma_wait3A_189 = tpu.memref_slice %arg9[%dma_wait3A_187, %dma_wait3A_188] : memref<160x128xf32, #tpu.memory_space<vmem>> -> memref<10x128xf32, #tpu.memory_space<vmem>>
      %dma_wait3A_190 = arith.constant 0 : i32
      %dma_wait3A_191 = arith.constant 0 : i32
      %dma_wait3A_192 = tpu.memref_slice %arg2[%dma_wait3A_190, %dma_wait3A_191] : memref<200000x128xf32, #tpu.memory_space<hbm>> -> memref<10x128xf32, #tpu.memory_space<hbm>>
      %dma_wait3A_193 = arith.constant 0 : i32
      %dma_wait3A_194 = arith.constant 0 : i32
      %dma_wait3A_195 = tpu.memref_slice %arg9[%dma_wait3A_193, %dma_wait3A_194] : memref<160x128xf32, #tpu.memory_space<vmem>> -> memref<10x128xf32, #tpu.memory_space<vmem>>
      %dma_wait3A_196 = arith.constant 0 : i32
      %dma_wait3A_197 = arith.constant 0 : i32
      %dma_wait3A_198 = tpu.memref_slice %arg2[%dma_wait3A_196, %dma_wait3A_197] : memref<200000x128xf32, #tpu.memory_space<hbm>> -> memref<10x128xf32, #tpu.memory_space<hbm>>
      tpu.wait_dma2 semaphore(%arg22 : memref<!tpu.dma_semaphore, #tpu.memory_space<semaphore_mem>>) src(%dma_wait3A_198 : memref<10x128xf32, #tpu.memory_space<hbm>>) dst(%dma_wait3A_195 : memref<10x128xf32, #tpu.memory_space<vmem>>)
    } else {
    }
    %sub3A_89 = arith.constant 1 : i32
    %sub3A_90 = arith.subi %min3A_21, %sub3A_89 : i32
    %jit3A_91 = arith.constant 5 : i32
    %eq3A_92 = arith.constant 0 : i32
    %eq3A_93 = arith.cmpi eq, %jit3A_91, %eq3A_92 : i32
    %jit3A_94 = arith.constant 1 : i32
    %select_n3A_95 = arith.select %eq3A_93, %jit3A_94, %jit3A_91 : i32
    %rem3A_96 = arith.remsi %sub3A_90, %select_n3A_95 : i32
    %ne3A_97 = arith.constant 0 : i32
    %ne3A_98 = arith.cmpi ne, %rem3A_96, %ne3A_97 : i32
    %lt3A_99 = arith.constant 0 : i32
    %lt3A_100 = arith.cmpi slt, %rem3A_96, %lt3A_99 : i32
    %lt3A_101 = arith.constant 0 : i32
    %lt3A_102 = arith.cmpi slt, %select_n3A_95, %lt3A_101 : i32
    %ne3A_103 = arith.xori %lt3A_100, %lt3A_102 : i1
    %and3A_104 = arith.andi %ne3A_103, %ne3A_98 : i1
    %add3A_105 = arith.addi %rem3A_96, %select_n3A_95 : i32
    %select_n3A_106 = arith.select %and3A_104, %add3A_105, %rem3A_96 : i32
    %eq3A_107 = arith.constant 1 : i32
    %eq3A_108 = arith.cmpi eq, %select_n3A_106, %eq3A_107 : i32
    %convert_element_type3A_109 = arith.extui %eq3A_108 : i1 to i32
    %cond3A_110 = arith.constant 0 : i32
    %cond3A_111 = arith.cmpi ne, %convert_element_type3A_109, %cond3A_110 : i32
    scf.if %cond3A_111 {
      %dma_wait3A = arith.constant 0 : i32
      %dma_wait3A_182 = arith.constant 0 : i32
      %dma_wait3A_183 = tpu.memref_slice %arg2[%dma_wait3A, %dma_wait3A_182] : memref<200000x128xf32, #tpu.memory_space<hbm>> -> memref<160x128xf32, #tpu.memory_space<hbm>>
      %dma_wait3A_184 = arith.constant 0 : i32
      %dma_wait3A_185 = arith.constant 0 : i32
      %dma_wait3A_186 = tpu.memref_slice %arg2[%dma_wait3A_184, %dma_wait3A_185] : memref<200000x128xf32, #tpu.memory_space<hbm>> -> memref<160x128xf32, #tpu.memory_space<hbm>>
      tpu.wait_dma2 semaphore(%arg23 : memref<!tpu.dma_semaphore, #tpu.memory_space<semaphore_mem>>) src(%dma_wait3A_186 : memref<160x128xf32, #tpu.memory_space<hbm>>) dst(%arg10 : memref<160x128xf32, #tpu.memory_space<vmem>>)
      %dma_wait3A_187 = arith.constant 0 : i32
      %dma_wait3A_188 = arith.constant 0 : i32
      %dma_wait3A_189 = tpu.memref_slice %arg10[%dma_wait3A_187, %dma_wait3A_188] : memref<160x128xf32, #tpu.memory_space<vmem>> -> memref<10x128xf32, #tpu.memory_space<vmem>>
      %dma_wait3A_190 = arith.constant 0 : i32
      %dma_wait3A_191 = arith.constant 0 : i32
      %dma_wait3A_192 = tpu.memref_slice %arg2[%dma_wait3A_190, %dma_wait3A_191] : memref<200000x128xf32, #tpu.memory_space<hbm>> -> memref<10x128xf32, #tpu.memory_space<hbm>>
      %dma_wait3A_193 = arith.constant 0 : i32
      %dma_wait3A_194 = arith.constant 0 : i32
      %dma_wait3A_195 = tpu.memref_slice %arg10[%dma_wait3A_193, %dma_wait3A_194] : memref<160x128xf32, #tpu.memory_space<vmem>> -> memref<10x128xf32, #tpu.memory_space<vmem>>
      %dma_wait3A_196 = arith.constant 0 : i32
      %dma_wait3A_197 = arith.constant 0 : i32
      %dma_wait3A_198 = tpu.memref_slice %arg2[%dma_wait3A_196, %dma_wait3A_197] : memref<200000x128xf32, #tpu.memory_space<hbm>> -> memref<10x128xf32, #tpu.memory_space<hbm>>
      tpu.wait_dma2 semaphore(%arg23 : memref<!tpu.dma_semaphore, #tpu.memory_space<semaphore_mem>>) src(%dma_wait3A_198 : memref<10x128xf32, #tpu.memory_space<hbm>>) dst(%dma_wait3A_195 : memref<10x128xf32, #tpu.memory_space<vmem>>)
    } else {
    }
    %sub3A_112 = arith.constant 1 : i32
    %sub3A_113 = arith.subi %min3A_21, %sub3A_112 : i32
    %jit3A_114 = arith.constant 5 : i32
    %eq3A_115 = arith.constant 0 : i32
    %eq3A_116 = arith.cmpi eq, %jit3A_114, %eq3A_115 : i32
    %jit3A_117 = arith.constant 1 : i32
    %select_n3A_118 = arith.select %eq3A_116, %jit3A_117, %jit3A_114 : i32
    %rem3A_119 = arith.remsi %sub3A_113, %select_n3A_118 : i32
    %ne3A_120 = arith.constant 0 : i32
    %ne3A_121 = arith.cmpi ne, %rem3A_119, %ne3A_120 : i32
    %lt3A_122 = arith.constant 0 : i32
    %lt3A_123 = arith.cmpi slt, %rem3A_119, %lt3A_122 : i32
    %lt3A_124 = arith.constant 0 : i32
    %lt3A_125 = arith.cmpi slt, %select_n3A_118, %lt3A_124 : i32
    %ne3A_126 = arith.xori %lt3A_123, %lt3A_125 : i1
    %and3A_127 = arith.andi %ne3A_126, %ne3A_121 : i1
    %add3A_128 = arith.addi %rem3A_119, %select_n3A_118 : i32
    %select_n3A_129 = arith.select %and3A_127, %add3A_128, %rem3A_119 : i32
    %eq3A_130 = arith.constant 2 : i32
    %eq3A_131 = arith.cmpi eq, %select_n3A_129, %eq3A_130 : i32
    %convert_element_type3A_132 = arith.extui %eq3A_131 : i1 to i32
    %cond3A_133 = arith.constant 0 : i32
    %cond3A_134 = arith.cmpi ne, %convert_element_type3A_132, %cond3A_133 : i32
    scf.if %cond3A_134 {
      %dma_wait3A = arith.constant 0 : i32
      %dma_wait3A_182 = arith.constant 0 : i32
      %dma_wait3A_183 = tpu.memref_slice %arg2[%dma_wait3A, %dma_wait3A_182] : memref<200000x128xf32, #tpu.memory_space<hbm>> -> memref<160x128xf32, #tpu.memory_space<hbm>>
      %dma_wait3A_184 = arith.constant 0 : i32
      %dma_wait3A_185 = arith.constant 0 : i32
      %dma_wait3A_186 = tpu.memref_slice %arg2[%dma_wait3A_184, %dma_wait3A_185] : memref<200000x128xf32, #tpu.memory_space<hbm>> -> memref<160x128xf32, #tpu.memory_space<hbm>>
      tpu.wait_dma2 semaphore(%arg24 : memref<!tpu.dma_semaphore, #tpu.memory_space<semaphore_mem>>) src(%dma_wait3A_186 : memref<160x128xf32, #tpu.memory_space<hbm>>) dst(%arg11 : memref<160x128xf32, #tpu.memory_space<vmem>>)
      %dma_wait3A_187 = arith.constant 0 : i32
      %dma_wait3A_188 = arith.constant 0 : i32
      %dma_wait3A_189 = tpu.memref_slice %arg11[%dma_wait3A_187, %dma_wait3A_188] : memref<160x128xf32, #tpu.memory_space<vmem>> -> memref<10x128xf32, #tpu.memory_space<vmem>>
      %dma_wait3A_190 = arith.constant 0 : i32
      %dma_wait3A_191 = arith.constant 0 : i32
      %dma_wait3A_192 = tpu.memref_slice %arg2[%dma_wait3A_190, %dma_wait3A_191] : memref<200000x128xf32, #tpu.memory_space<hbm>> -> memref<10x128xf32, #tpu.memory_space<hbm>>
      %dma_wait3A_193 = arith.constant 0 : i32
      %dma_wait3A_194 = arith.constant 0 : i32
      %dma_wait3A_195 = tpu.memref_slice %arg11[%dma_wait3A_193, %dma_wait3A_194] : memref<160x128xf32, #tpu.memory_space<vmem>> -> memref<10x128xf32, #tpu.memory_space<vmem>>
      %dma_wait3A_196 = arith.constant 0 : i32
      %dma_wait3A_197 = arith.constant 0 : i32
      %dma_wait3A_198 = tpu.memref_slice %arg2[%dma_wait3A_196, %dma_wait3A_197] : memref<200000x128xf32, #tpu.memory_space<hbm>> -> memref<10x128xf32, #tpu.memory_space<hbm>>
      tpu.wait_dma2 semaphore(%arg24 : memref<!tpu.dma_semaphore, #tpu.memory_space<semaphore_mem>>) src(%dma_wait3A_198 : memref<10x128xf32, #tpu.memory_space<hbm>>) dst(%dma_wait3A_195 : memref<10x128xf32, #tpu.memory_space<vmem>>)
    } else {
    }
    %sub3A_135 = arith.constant 1 : i32
    %sub3A_136 = arith.subi %min3A_21, %sub3A_135 : i32
    %jit3A_137 = arith.constant 5 : i32
    %eq3A_138 = arith.constant 0 : i32
    %eq3A_139 = arith.cmpi eq, %jit3A_137, %eq3A_138 : i32
    %jit3A_140 = arith.constant 1 : i32
    %select_n3A_141 = arith.select %eq3A_139, %jit3A_140, %jit3A_137 : i32
    %rem3A_142 = arith.remsi %sub3A_136, %select_n3A_141 : i32
    %ne3A_143 = arith.constant 0 : i32
    %ne3A_144 = arith.cmpi ne, %rem3A_142, %ne3A_143 : i32
    %lt3A_145 = arith.constant 0 : i32
    %lt3A_146 = arith.cmpi slt, %rem3A_142, %lt3A_145 : i32
    %lt3A_147 = arith.constant 0 : i32
    %lt3A_148 = arith.cmpi slt, %select_n3A_141, %lt3A_147 : i32
    %ne3A_149 = arith.xori %lt3A_146, %lt3A_148 : i1
    %and3A_150 = arith.andi %ne3A_149, %ne3A_144 : i1
    %add3A_151 = arith.addi %rem3A_142, %select_n3A_141 : i32
    %select_n3A_152 = arith.select %and3A_150, %add3A_151, %rem3A_142 : i32
    %eq3A_153 = arith.constant 3 : i32
    %eq3A_154 = arith.cmpi eq, %select_n3A_152, %eq3A_153 : i32
    %convert_element_type3A_155 = arith.extui %eq3A_154 : i1 to i32
    %cond3A_156 = arith.constant 0 : i32
    %cond3A_157 = arith.cmpi ne, %convert_element_type3A_155, %cond3A_156 : i32
    scf.if %cond3A_157 {
      %dma_wait3A = arith.constant 0 : i32
      %dma_wait3A_182 = arith.constant 0 : i32
      %dma_wait3A_183 = tpu.memref_slice %arg2[%dma_wait3A, %dma_wait3A_182] : memref<200000x128xf32, #tpu.memory_space<hbm>> -> memref<160x128xf32, #tpu.memory_space<hbm>>
      %dma_wait3A_184 = arith.constant 0 : i32
      %dma_wait3A_185 = arith.constant 0 : i32
      %dma_wait3A_186 = tpu.memref_slice %arg2[%dma_wait3A_184, %dma_wait3A_185] : memref<200000x128xf32, #tpu.memory_space<hbm>> -> memref<160x128xf32, #tpu.memory_space<hbm>>
      tpu.wait_dma2 semaphore(%arg25 : memref<!tpu.dma_semaphore, #tpu.memory_space<semaphore_mem>>) src(%dma_wait3A_186 : memref<160x128xf32, #tpu.memory_space<hbm>>) dst(%arg12 : memref<160x128xf32, #tpu.memory_space<vmem>>)
      %dma_wait3A_187 = arith.constant 0 : i32
      %dma_wait3A_188 = arith.constant 0 : i32
      %dma_wait3A_189 = tpu.memref_slice %arg12[%dma_wait3A_187, %dma_wait3A_188] : memref<160x128xf32, #tpu.memory_space<vmem>> -> memref<10x128xf32, #tpu.memory_space<vmem>>
      %dma_wait3A_190 = arith.constant 0 : i32
      %dma_wait3A_191 = arith.constant 0 : i32
      %dma_wait3A_192 = tpu.memref_slice %arg2[%dma_wait3A_190, %dma_wait3A_191] : memref<200000x128xf32, #tpu.memory_space<hbm>> -> memref<10x128xf32, #tpu.memory_space<hbm>>
      %dma_wait3A_193 = arith.constant 0 : i32
      %dma_wait3A_194 = arith.constant 0 : i32
      %dma_wait3A_195 = tpu.memref_slice %arg12[%dma_wait3A_193, %dma_wait3A_194] : memref<160x128xf32, #tpu.memory_space<vmem>> -> memref<10x128xf32, #tpu.memory_space<vmem>>
      %dma_wait3A_196 = arith.constant 0 : i32
      %dma_wait3A_197 = arith.constant 0 : i32
      %dma_wait3A_198 = tpu.memref_slice %arg2[%dma_wait3A_196, %dma_wait3A_197] : memref<200000x128xf32, #tpu.memory_space<hbm>> -> memref<10x128xf32, #tpu.memory_space<hbm>>
      tpu.wait_dma2 semaphore(%arg25 : memref<!tpu.dma_semaphore, #tpu.memory_space<semaphore_mem>>) src(%dma_wait3A_198 : memref<10x128xf32, #tpu.memory_space<hbm>>) dst(%dma_wait3A_195 : memref<10x128xf32, #tpu.memory_space<vmem>>)
    } else {
    }
    %sub3A_158 = arith.constant 1 : i32
    %sub3A_159 = arith.subi %min3A_21, %sub3A_158 : i32
    %jit3A_160 = arith.constant 5 : i32
    %eq3A_161 = arith.constant 0 : i32
    %eq3A_162 = arith.cmpi eq, %jit3A_160, %eq3A_161 : i32
    %jit3A_163 = arith.constant 1 : i32
    %select_n3A_164 = arith.select %eq3A_162, %jit3A_163, %jit3A_160 : i32
    %rem3A_165 = arith.remsi %sub3A_159, %select_n3A_164 : i32
    %ne3A_166 = arith.constant 0 : i32
    %ne3A_167 = arith.cmpi ne, %rem3A_165, %ne3A_166 : i32
    %lt3A_168 = arith.constant 0 : i32
    %lt3A_169 = arith.cmpi slt, %rem3A_165, %lt3A_168 : i32
    %lt3A_170 = arith.constant 0 : i32
    %lt3A_171 = arith.cmpi slt, %select_n3A_164, %lt3A_170 : i32
    %ne3A_172 = arith.xori %lt3A_169, %lt3A_171 : i1
    %and3A_173 = arith.andi %ne3A_172, %ne3A_167 : i1
    %add3A_174 = arith.addi %rem3A_165, %select_n3A_164 : i32
    %select_n3A_175 = arith.select %and3A_173, %add3A_174, %rem3A_165 : i32
    %eq3A_176 = arith.constant 4 : i32
    %eq3A_177 = arith.cmpi eq, %select_n3A_175, %eq3A_176 : i32
    %convert_element_type3A_178 = arith.extui %eq3A_177 : i1 to i32
    %cond3A_179 = arith.constant 0 : i32
    %cond3A_180 = arith.cmpi ne, %convert_element_type3A_178, %cond3A_179 : i32
    scf.if %cond3A_180 {
      %dma_wait3A = arith.constant 0 : i32
      %dma_wait3A_182 = arith.constant 0 : i32
      %dma_wait3A_183 = tpu.memref_slice %arg2[%dma_wait3A, %dma_wait3A_182] : memref<200000x128xf32, #tpu.memory_space<hbm>> -> memref<160x128xf32, #tpu.memory_space<hbm>>
      %dma_wait3A_184 = arith.constant 0 : i32
      %dma_wait3A_185 = arith.constant 0 : i32
      %dma_wait3A_186 = tpu.memref_slice %arg2[%dma_wait3A_184, %dma_wait3A_185] : memref<200000x128xf32, #tpu.memory_space<hbm>> -> memref<160x128xf32, #tpu.memory_space<hbm>>
      tpu.wait_dma2 semaphore(%arg26 : memref<!tpu.dma_semaphore, #tpu.memory_space<semaphore_mem>>) src(%dma_wait3A_186 : memref<160x128xf32, #tpu.memory_space<hbm>>) dst(%arg13 : memref<160x128xf32, #tpu.memory_space<vmem>>)
      %dma_wait3A_187 = arith.constant 0 : i32
      %dma_wait3A_188 = arith.constant 0 : i32
      %dma_wait3A_189 = tpu.memref_slice %arg13[%dma_wait3A_187, %dma_wait3A_188] : memref<160x128xf32, #tpu.memory_space<vmem>> -> memref<10x128xf32, #tpu.memory_space<vmem>>
      %dma_wait3A_190 = arith.constant 0 : i32
      %dma_wait3A_191 = arith.constant 0 : i32
      %dma_wait3A_192 = tpu.memref_slice %arg2[%dma_wait3A_190, %dma_wait3A_191] : memref<200000x128xf32, #tpu.memory_space<hbm>> -> memref<10x128xf32, #tpu.memory_space<hbm>>
      %dma_wait3A_193 = arith.constant 0 : i32
      %dma_wait3A_194 = arith.constant 0 : i32
      %dma_wait3A_195 = tpu.memref_slice %arg13[%dma_wait3A_193, %dma_wait3A_194] : memref<160x128xf32, #tpu.memory_space<vmem>> -> memref<10x128xf32, #tpu.memory_space<vmem>>
      %dma_wait3A_196 = arith.constant 0 : i32
      %dma_wait3A_197 = arith.constant 0 : i32
      %dma_wait3A_198 = tpu.memref_slice %arg2[%dma_wait3A_196, %dma_wait3A_197] : memref<200000x128xf32, #tpu.memory_space<hbm>> -> memref<10x128xf32, #tpu.memory_space<hbm>>
      tpu.wait_dma2 semaphore(%arg26 : memref<!tpu.dma_semaphore, #tpu.memory_space<semaphore_mem>>) src(%dma_wait3A_198 : memref<10x128xf32, #tpu.memory_space<hbm>>) dst(%dma_wait3A_195 : memref<10x128xf32, #tpu.memory_space<vmem>>)
    } else {
    }
    %barrier3A_181 = arith.constant 0 : index
    tpu.barrier barrier_id(%barrier3A_181)
    "tpu.region"() ({
      %run_scoped3A = tpu.sem_alloc : memref<!tpu.dma_semaphore, #tpu.memory_space<semaphore_mem>>
      %dma_start3A = arith.constant 0 : i32
      %dma_start3A_182 = tpu.memref_slice %arg5[%arg0, %mul3A_23, %dma_start3A] : memref<2x2048x128xf32, #tpu.memory_space<hbm>> -> memref<1x128x128xf32, #tpu.memory_space<hbm>>
      %dma_start3A_183 = tpu.memref_squeeze %dma_start3A_182 : memref<1x128x128xf32, #tpu.memory_space<hbm>> -> memref<128x128xf32, #tpu.memory_space<hbm>>
      %dma_start3A_184 = arith.constant 0 : i32
      %dma_start3A_185 = tpu.memref_slice %arg15[%mul3A_23, %dma_start3A_184] : memref<2048x128xf32, #tpu.memory_space<vmem_shared>> -> memref<128x128xf32, #tpu.memory_space<vmem_shared>>
      tpu.enqueue_dma source(%dma_start3A_185 : memref<128x128xf32, #tpu.memory_space<vmem_shared>>) target(%dma_start3A_183 : memref<128x128xf32, #tpu.memory_space<hbm>>) target_semaphore(%run_scoped3A : memref<!tpu.dma_semaphore, #tpu.memory_space<semaphore_mem>>)
      %dma_wait3A = arith.constant 0 : i32
      %dma_wait3A_186 = tpu.memref_slice %arg5[%arg0, %mul3A_23, %dma_wait3A] : memref<2x2048x128xf32, #tpu.memory_space<hbm>> -> memref<1x128x128xf32, #tpu.memory_space<hbm>>
      %dma_wait3A_187 = tpu.memref_squeeze %dma_wait3A_186 : memref<1x128x128xf32, #tpu.memory_space<hbm>> -> memref<128x128xf32, #tpu.memory_space<hbm>>
      %dma_wait3A_188 = arith.constant 0 : i32
      %dma_wait3A_189 = tpu.memref_slice %arg15[%mul3A_23, %dma_wait3A_188] : memref<2048x128xf32, #tpu.memory_space<vmem_shared>> -> memref<128x128xf32, #tpu.memory_space<vmem_shared>>
      tpu.wait_dma2 semaphore(%run_scoped3A : memref<!tpu.dma_semaphore, #tpu.memory_space<semaphore_mem>>) src(%dma_wait3A_189 : memref<128x128xf32, #tpu.memory_space<vmem_shared>>) dst(%dma_wait3A_187 : memref<128x128xf32, #tpu.memory_space<hbm>>)
      tpu.yield
    }) : () -> ()
    "tpu.region"() ({
      %run_scoped3A = tpu.sem_alloc : memref<!tpu.dma_semaphore, #tpu.memory_space<semaphore_mem>>
      %dma_start3A = arith.constant 0 : i32
      %dma_start3A_182 = tpu.memref_slice %arg6[%arg0, %mul3A_25, %dma_start3A] : memref<2x1024x16xf32, #tpu.memory_space<hbm>> -> memref<1x64x16xf32, #tpu.memory_space<hbm>>
      %dma_start3A_183 = tpu.memref_squeeze %dma_start3A_182 : memref<1x64x16xf32, #tpu.memory_space<hbm>> -> memref<64x16xf32, #tpu.memory_space<hbm>>
      %dma_start3A_184 = arith.constant 0 : i32
      %dma_start3A_185 = tpu.memref_slice %arg16[%mul3A_25, %dma_start3A_184] : memref<1024x16xf32, #tpu.memory_space<vmem_shared>> -> memref<64x16xf32, #tpu.memory_space<vmem_shared>>
      tpu.enqueue_dma source(%dma_start3A_185 : memref<64x16xf32, #tpu.memory_space<vmem_shared>>) target(%dma_start3A_183 : memref<64x16xf32, #tpu.memory_space<hbm>>) target_semaphore(%run_scoped3A : memref<!tpu.dma_semaphore, #tpu.memory_space<semaphore_mem>>)
      %dma_wait3A = arith.constant 0 : i32
      %dma_wait3A_186 = tpu.memref_slice %arg6[%arg0, %mul3A_25, %dma_wait3A] : memref<2x1024x16xf32, #tpu.memory_space<hbm>> -> memref<1x64x16xf32, #tpu.memory_space<hbm>>
      %dma_wait3A_187 = tpu.memref_squeeze %dma_wait3A_186 : memref<1x64x16xf32, #tpu.memory_space<hbm>> -> memref<64x16xf32, #tpu.memory_space<hbm>>
      %dma_wait3A_188 = arith.constant 0 : i32
      %dma_wait3A_189 = tpu.memref_slice %arg16[%mul3A_25, %dma_wait3A_188] : memref<1024x16xf32, #tpu.memory_space<vmem_shared>> -> memref<64x16xf32, #tpu.memory_space<vmem_shared>>
      tpu.wait_dma2 semaphore(%run_scoped3A : memref<!tpu.dma_semaphore, #tpu.memory_space<semaphore_mem>>) src(%dma_wait3A_189 : memref<64x16xf32, #tpu.memory_space<vmem_shared>>) dst(%dma_wait3A_187 : memref<64x16xf32, #tpu.memory_space<hbm>>)
      tpu.yield
    }) : () -> ()
    return
  }
}

module attributes {stable_mosaic.version = 14 : i64} {
  func.func @_tcpool_body(%arg0: i32, %arg1: memref<1x1x4000xi32, #tpu.memory_space<vmem>>, %arg2: memref<4000x256xf32, #tpu.memory_space<vmem>>, %arg3: memref<1024x256xf32, #tpu.memory_space<vmem>>, %arg4: memref<1024x1xf32, #tpu.memory_space<vmem>>) attributes {dimension_semantics = [#tpu.dimension_semantics<arbitrary>], iteration_bounds = array<i64: 9>, scalar_prefetch = 0 : i64, scratch_operands = 0 : i64, tpu.core_type = #tpu.core_type<tc>, window_params = [{transform_indices = @transform_0, window_bounds = array<i64: 1, 1, 4000>}, {transform_indices = @transform_1, window_bounds = array<i64: 4000, 256>}, {pipeline_mode = #tpu.pipeline_mode<synchronous>, transform_indices = @transform_2, window_bounds = array<i64: 1024, 256>}, {pipeline_mode = #tpu.pipeline_mode<synchronous>, transform_indices = @transform_3, window_bounds = array<i64: 1024, 1>}]} {
    %get3A = arith.constant 0 : index
    %get3A_0 = arith.constant 0 : index
    %get3A_1 = arith.constant 0 : index
    %get3A_2 = vector.load %arg1[%get3A, %get3A_0, %get3A_1] : memref<1x1x4000xi32, #tpu.memory_space<vmem>>, vector<1x1x4000xi32>
    %get3A_3 = vector.shape_cast %get3A_2 : vector<1x1x4000xi32> to vector<4000xi32>
    %iota3A = tpu.iota {dimensions = array<i32: 0>} : vector<1024x4000xi32>
    %broadcast_in_dim3A = vector.shape_cast %get3A_3 : vector<4000xi32> to vector<1x4000xi32>
    %eq3A = vector.broadcast %broadcast_in_dim3A : vector<1x4000xi32> to vector<1024x4000xi32>
    %eq3A_4 = arith.cmpi eq, %eq3A, %iota3A : vector<1024x4000xi32>
    %convert_element_type3A = arith.extui %eq3A_4 : vector<1024x4000xi1> to vector<1024x4000xi32>
    %convert_element_type3A_5 = arith.sitofp %convert_element_type3A : vector<1024x4000xi32> to vector<1024x4000xf32>
    %convert_element_type3A_6 = arith.truncf %convert_element_type3A_5 : vector<1024x4000xf32> to vector<1024x4000xbf16>
    %get3A_7 = arith.constant 0 : index
    %get3A_8 = arith.constant 0 : index
    %get3A_9 = vector.load %arg2[%get3A_7, %get3A_8] : memref<4000x256xf32, #tpu.memory_space<vmem>>, vector<4000x256xf32>
    %convert_element_type3A_10 = arith.truncf %get3A_9 : vector<4000x256xf32> to vector<4000x256xbf16>
    %dot_general3A = arith.constant dense<0.000000e+00> : vector<1024x256xf32>
    %dot_general3A_11 = tpu.matmul %convert_element_type3A_6, %convert_element_type3A_10, %dot_general3A {dimension_numbers = #tpu.dot_dimension_numbers<[1], [0], [0], [1], [0, 0, 1, 1], [], []>, transpose_lhs_hint = false} : vector<1024x4000xbf16>, vector<4000x256xbf16>, vector<1024x256xf32> -> vector<1024x256xf32>
    %convert_element_type3A_12 = arith.extui %eq3A_4 : vector<1024x4000xi1> to vector<1024x4000xi32>
    %convert_element_type3A_13 = arith.sitofp %convert_element_type3A_12 : vector<1024x4000xi32> to vector<1024x4000xf32>
    %reduce_sum3A = arith.constant dense<0.000000e+00> : vector<1024xf32>
    %reduce_sum3A_14 = vector.multi_reduction <add>, %convert_element_type3A_13, %reduce_sum3A [1] : vector<1024x4000xf32> to vector<1024xf32>
    %broadcast_in_dim3A_15 = vector.shape_cast %reduce_sum3A_14 : vector<1024xf32> to vector<1024x1xf32>
    %eq3A_16 = arith.constant 0 : i32
    %eq3A_17 = arith.cmpi eq, %arg0, %eq3A_16 : i32
    %convert_element_type3A_18 = arith.extui %eq3A_17 : i1 to i32
    %cond3A = arith.constant 0 : i32
    %cond3A_19 = arith.cmpi ne, %convert_element_type3A_18, %cond3A : i32
    scf.if %cond3A_19 {
      %swap3A = arith.constant 0 : index
      %swap3A_24 = arith.constant 0 : index
      %swap3A_25 = vector.load %arg3[%swap3A, %swap3A_24] : memref<1024x256xf32, #tpu.memory_space<vmem>>, vector<1024x256xf32>
      tpu.vector_store %arg3[%swap3A, %swap3A_24], %dot_general3A_11 {strides = array<i32>} : memref<1024x256xf32, #tpu.memory_space<vmem>>, vector<1024x256xf32>,
      %swap3A_26 = arith.constant 0 : index
      %swap3A_27 = arith.constant 0 : index
      %swap3A_28 = vector.load %arg4[%swap3A_26, %swap3A_27] : memref<1024x1xf32, #tpu.memory_space<vmem>>, vector<1024x1xf32>
      tpu.vector_store %arg4[%swap3A_26, %swap3A_27], %broadcast_in_dim3A_15 {strides = array<i32>} : memref<1024x1xf32, #tpu.memory_space<vmem>>, vector<1024x1xf32>,
    } else {
    }
    %gt3A = arith.constant 0 : i32
    %gt3A_20 = arith.cmpi sgt, %arg0, %gt3A : i32
    %convert_element_type3A_21 = arith.extui %gt3A_20 : i1 to i32
    %cond3A_22 = arith.constant 0 : i32
    %cond3A_23 = arith.cmpi ne, %convert_element_type3A_21, %cond3A_22 : i32
    scf.if %cond3A_23 {
      %get3A_24 = arith.constant 0 : index
      %get3A_25 = arith.constant 0 : index
      %get3A_26 = vector.load %arg3[%get3A_24, %get3A_25] : memref<1024x256xf32, #tpu.memory_space<vmem>>, vector<1024x256xf32>
      %add3A = arith.addf %get3A_26, %dot_general3A_11 : vector<1024x256xf32>
      %swap3A = arith.constant 0 : index
      %swap3A_27 = arith.constant 0 : index
      %swap3A_28 = vector.load %arg3[%swap3A, %swap3A_27] : memref<1024x256xf32, #tpu.memory_space<vmem>>, vector<1024x256xf32>
      tpu.vector_store %arg3[%swap3A, %swap3A_27], %add3A {strides = array<i32>} : memref<1024x256xf32, #tpu.memory_space<vmem>>, vector<1024x256xf32>,
      %get3A_29 = arith.constant 0 : index
      %get3A_30 = arith.constant 0 : index
      %get3A_31 = vector.load %arg4[%get3A_29, %get3A_30] : memref<1024x1xf32, #tpu.memory_space<vmem>>, vector<1024x1xf32>
      %add3A_32 = arith.addf %get3A_31, %broadcast_in_dim3A_15 : vector<1024x1xf32>
      %swap3A_33 = arith.constant 0 : index
      %swap3A_34 = arith.constant 0 : index
      %swap3A_35 = vector.load %arg4[%swap3A_33, %swap3A_34] : memref<1024x1xf32, #tpu.memory_space<vmem>>, vector<1024x1xf32>
      tpu.vector_store %arg4[%swap3A_33, %swap3A_34], %add3A_32 {strides = array<i32>} : memref<1024x1xf32, #tpu.memory_space<vmem>>, vector<1024x1xf32>,
    } else {
    }
    return
  }
  func.func @transform_0(%arg0: i32) -> (i32, i32, i32) {
    %c0_i32 = arith.constant 0 : i32
    %c0_i32_0 = arith.constant 0 : i32
    %c0_i32_1 = arith.constant 0 : i32
    return %arg0, %c0_i32, %c0_i32_0 : i32, i32, i32
  }
  func.func @transform_1(%arg0: i32) -> (i32, i32) {
    %add3A = arith.constant 16 : i32
    %add3A_0 = arith.addi %add3A, %arg0 : i32
    %c0_i32 = arith.constant 0 : i32
    %c0_i32_1 = arith.constant 0 : i32
    return %add3A_0, %c0_i32 : i32, i32
  }
  func.func @transform_2(%arg0: i32) -> (i32, i32) {
    %c0_i32 = arith.constant 0 : i32
    %c0_i32_0 = arith.constant 0 : i32
    %c0_i32_1 = arith.constant 0 : i32
    return %c0_i32, %c0_i32_0 : i32, i32
  }
  func.func @transform_3(%arg0: i32) -> (i32, i32) {
    %c0_i32 = arith.constant 0 : i32
    %c0_i32_0 = arith.constant 0 : i32
    %c0_i32_1 = arith.constant 0 : i32
    return %c0_i32, %c0_i32_0 : i32, i32
  }
}

module attributes {stable_mosaic.version = 14 : i64} {
  func.func @_head_body(%arg0: memref<2x1024x256xf32, #tpu.memory_space<vmem>>, %arg1: memref<2x1024x16xf32, #tpu.memory_space<vmem>>, %arg2: memref<1024x256xf32, #tpu.memory_space<vmem>>, %arg3: memref<1024x1xf32, #tpu.memory_space<vmem>>, %arg4: memref<1024x1xf32, #tpu.memory_space<vmem>>, %arg5: memref<256x256xf32, #tpu.memory_space<vmem>>, %arg6: memref<1x256xf32, #tpu.memory_space<vmem>>, %arg7: memref<256x1xf32, #tpu.memory_space<vmem>>, %arg8: memref<1x1xf32, #tpu.memory_space<vmem>>, %arg9: memref<1x1xf32, #tpu.memory_space<vmem>>) attributes {dimension_semantics = [], scalar_prefetch = 0 : i64, scratch_operands = 0 : i64, tpu.core_type = #tpu.core_type<tc>} {
    %get3A = arith.constant 0 : index
    %get3A_0 = arith.constant 0 : index
    %get3A_1 = arith.constant 0 : index
    %get3A_2 = vector.load %arg0[%get3A, %get3A_0, %get3A_1] : memref<2x1024x256xf32, #tpu.memory_space<vmem>>, vector<1x1024x256xf32>
    %get3A_3 = vector.shape_cast %get3A_2 : vector<1x1024x256xf32> to vector<1024x256xf32>
    %get3A_4 = arith.constant 1 : index
    %get3A_5 = arith.constant 0 : index
    %get3A_6 = arith.constant 0 : index
    %get3A_7 = vector.load %arg0[%get3A_4, %get3A_5, %get3A_6] : memref<2x1024x256xf32, #tpu.memory_space<vmem>>, vector<1x1024x256xf32>
    %get3A_8 = vector.shape_cast %get3A_7 : vector<1x1024x256xf32> to vector<1024x256xf32>
    %add3A = arith.addf %get3A_3, %get3A_8 : vector<1024x256xf32>
    %get3A_9 = arith.constant 0 : index
    %get3A_10 = arith.constant 0 : index
    %get3A_11 = vector.load %arg2[%get3A_9, %get3A_10] : memref<1024x256xf32, #tpu.memory_space<vmem>>, vector<1024x256xf32>
    %add3A_12 = arith.addf %add3A, %get3A_11 : vector<1024x256xf32>
    %get3A_13 = arith.constant 0 : index
    %get3A_14 = arith.constant 0 : index
    %get3A_15 = arith.constant 0 : index
    %get3A_16 = vector.load %arg1[%get3A_13, %get3A_14, %get3A_15] : memref<2x1024x16xf32, #tpu.memory_space<vmem>>, vector<1x1024x1xf32>
    %get3A_17 = vector.shape_cast %get3A_16 : vector<1x1024x1xf32> to vector<1024x1xf32>
    %get3A_18 = arith.constant 1 : index
    %get3A_19 = arith.constant 0 : index
    %get3A_20 = arith.constant 0 : index
    %get3A_21 = vector.load %arg1[%get3A_18, %get3A_19, %get3A_20] : memref<2x1024x16xf32, #tpu.memory_space<vmem>>, vector<1x1024x1xf32>
    %get3A_22 = vector.shape_cast %get3A_21 : vector<1x1024x1xf32> to vector<1024x1xf32>
    %add3A_23 = arith.addf %get3A_17, %get3A_22 : vector<1024x1xf32>
    %get3A_24 = arith.constant 0 : index
    %get3A_25 = arith.constant 0 : index
    %get3A_26 = vector.load %arg3[%get3A_24, %get3A_25] : memref<1024x1xf32, #tpu.memory_space<vmem>>, vector<1024x1xf32>
    %add3A_27 = arith.addf %add3A_23, %get3A_26 : vector<1024x1xf32>
    %max3A = arith.constant 1.000000e+00 : f32
    %max3A_28 = vector.broadcast %max3A : f32 to vector<1024x1xf32>
    %max3A_29 = arith.maximumf %add3A_27, %max3A_28 : vector<1024x1xf32>
    %div3A = vector.broadcast %max3A_29 : vector<1024x1xf32> to vector<1024x256xf32>
    %div3A_30 = arith.divf %add3A_12, %div3A : vector<1024x256xf32>
    %get3A_31 = arith.constant 0 : index
    %get3A_32 = arith.constant 0 : index
    %get3A_33 = vector.load %arg5[%get3A_31, %get3A_32] : memref<256x256xf32, #tpu.memory_space<vmem>>, vector<256x256xf32>
    %dot_general3A = arith.constant dense<0.000000e+00> : vector<1024x256xf32>
    %dot_general3A_34 = tpu.matmul %div3A_30, %get3A_33, %dot_general3A {dimension_numbers = #tpu.dot_dimension_numbers<[1], [0], [0], [1], [0, 0, 1, 1], [], []>, transpose_lhs_hint = false} : vector<1024x256xf32>, vector<256x256xf32>, vector<1024x256xf32> -> vector<1024x256xf32>
    %get3A_35 = arith.constant 0 : index
    %get3A_36 = arith.constant 0 : index
    %get3A_37 = vector.load %arg6[%get3A_35, %get3A_36] : memref<1x256xf32, #tpu.memory_space<vmem>>, vector<1x256xf32>
    %add3A_38 = vector.broadcast %get3A_37 : vector<1x256xf32> to vector<1024x256xf32>
    %add3A_39 = arith.addf %dot_general3A_34, %add3A_38 : vector<1024x256xf32>
    %max3A_40 = arith.constant 0.000000e+00 : f32
    %max3A_41 = vector.broadcast %max3A_40 : f32 to vector<1024x256xf32>
    %max3A_42 = arith.maximumf %add3A_39, %max3A_41 : vector<1024x256xf32>
    %get3A_43 = arith.constant 0 : index
    %get3A_44 = arith.constant 0 : index
    %get3A_45 = vector.load %arg7[%get3A_43, %get3A_44] : memref<256x1xf32, #tpu.memory_space<vmem>>, vector<256x1xf32>
    %dot_general3A_46 = arith.constant dense<0.000000e+00> : vector<1024x1xf32>
    %dot_general3A_47 = tpu.matmul %max3A_42, %get3A_45, %dot_general3A_46 {dimension_numbers = #tpu.dot_dimension_numbers<[1], [0], [0], [1], [0, 0, 1, 1], [], []>, transpose_lhs_hint = false} : vector<1024x256xf32>, vector<256x1xf32>, vector<1024x1xf32> -> vector<1024x1xf32>
    %get3A_48 = arith.constant 0 : index
    %get3A_49 = arith.constant 0 : index
    %get3A_50 = vector.load %arg8[%get3A_48, %get3A_49] : memref<1x1xf32, #tpu.memory_space<vmem>>, vector<1x1xf32>
    %add3A_51 = vector.broadcast %get3A_50 : vector<1x1xf32> to vector<1024x1xf32>
    %add3A_52 = arith.addf %dot_general3A_47, %add3A_51 : vector<1024x1xf32>
    %get3A_53 = arith.constant 0 : index
    %get3A_54 = arith.constant 0 : index
    %get3A_55 = vector.load %arg4[%get3A_53, %get3A_54] : memref<1024x1xf32, #tpu.memory_space<vmem>>, vector<1024x1xf32>
    %max3A_56 = arith.constant 0.000000e+00 : f32
    %max3A_57 = vector.broadcast %max3A_56 : f32 to vector<1024x1xf32>
    %max3A_58 = arith.maximumf %add3A_52, %max3A_57 : vector<1024x1xf32>
    %mul3A = arith.mulf %add3A_52, %get3A_55 : vector<1024x1xf32>
    %sub3A = arith.subf %max3A_58, %mul3A : vector<1024x1xf32>
    %abs3A = math.absf %add3A_52 : vector<1024x1xf32>
    %neg3A = arith.constant 0.000000e+00 : f32
    %neg3A_59 = vector.broadcast %neg3A : f32 to vector<1024x1xf32>
    %neg3A_60 = arith.subf %neg3A_59, %abs3A : vector<1024x1xf32>
    %exp3A = math.exp %neg3A_60 : vector<1024x1xf32>
    %log1p3A = math.log1p %exp3A : vector<1024x1xf32>
    %add3A_61 = arith.addf %sub3A, %log1p3A : vector<1024x1xf32>
    %reduce_sum3A = vector.shape_cast %add3A_61 : vector<1024x1xf32> to vector<1x1024x1xf32>
    %reduce_sum3A_62 = arith.constant dense<0.000000e+00> : vector<1xf32>
    %reduce_sum3A_63 = vector.multi_reduction <add>, %reduce_sum3A, %reduce_sum3A_62 [1, 2] : vector<1x1024x1xf32> to vector<1xf32>
    %reduce_sum3A_64 = vector.shape_cast %reduce_sum3A_63 : vector<1xf32> to vector<1x1x1xf32>
    %reduce_sum3A_65 = vector.extract %reduce_sum3A_64[0, 0, 0] : f32 from vector<1x1x1xf32>
    %div3A_66 = arith.constant 1.024000e+03 : f32
    %div3A_67 = arith.divf %reduce_sum3A_65, %div3A_66 : f32
    %reshape3A = vector.broadcast %div3A_67 : f32 to vector<1x1xf32>
    %swap3A = arith.constant 0 : index
    %swap3A_68 = arith.constant 0 : index
    %swap3A_69 = vector.load %arg9[%swap3A, %swap3A_68] : memref<1x1xf32, #tpu.memory_space<vmem>>, vector<1x1xf32>
    tpu.vector_store %arg9[%swap3A, %swap3A_68], %reshape3A {strides = array<i32>} : memref<1x1xf32, #tpu.memory_space<vmem>>, vector<1x1xf32>,
    return
  }
}

</mosaic_0001>

<sc_bundles>
// kernel: kernel.5.cloned.1.call-start
scs
__scs_entry_jumppad:
0x0: {  	(pc) =	sbr.rel $0x88, $3  }
0x1: {  	(tag) =	ssettag $0x0;
	lr =	simm.s32 $0x1  }
0x2: {  	[smem:$0x3F9A] =	sst lr;
	_ =	strace $0xD0000000  }
0x3: {  	_ = 	snop  }
0x4: {  	_ = 	snop  }
0x5: {  	_ = 	snop  }
0x6: {  	_ = 	snop  }
0x7: {  	_ = 	snop  }
__scs_overlays_trampoline_lowered:
0x8: {  	[smem:$0x3FA9] =	sst s0  }
0x9: {  	[smem:$0x3FAA] =	sst s1  }
0xa: {  	[smem:$0x3FAB] =	sst s2  }
0xb: {  	[smem:$0x3FAC] =	sst s3  }
0xc: {  	[smem:$0x3FAD] =	sst s4  }
0xd: {  	[smem:$0x3FAE] =	sst s5  }
0xe: {  	[smem:$0x3FAF] =	sst s6  }
0xf: {  	[smem:$0x3FB0] =	sst s7  }
0x10: {  	[smem:$0x3FB1] =	sst s8  }
0x11: {  	[smem:$0x3FB2] =	sst s9;
	s0 =	simm.s32 @!p0 $0x0  }
0x12: {  	s1 =	sld [smem:$0x3F98];
	s0 =	simm.s32 @p0 $0x1  }
0x13: {  	[smem:$0x3FB3] =	sst s0;
	s0 =	simm.s32 @!p1 $0x0  }
0x14: {  	s2 =	sld [smem:$0x3F97];
	s0 =	simm.s32 @p1 $0x1  }
0x15: {  	[smem:$0x3FB4] =	sst s0;
	s0 =	simm.s32 @!p2 $0x0  }
0x16: {  	s3 =	sld [smem:$0x3FDB];
	s0 =	simm.s32 @p2 $0x1  }
0x17: {  	s4 =	simm.s32 $0x1BF5;
	[smem:$0x3FB6] =	sst s0  }
0x18: {  	s0 =	sld [smem:$0x3F99];
	_ =	swait.ge [sflag:s4], $0x0  }
0x19: {  	s7 =	sld [smem:$0x3F9A]  }
0x1a: {  	s8 =	sadd.s32 $0xFFFFE003, lr  }
0x1b: {  	s9 =	sadd.s32 $0xFFFFFEF7, lr;
	s5 =	simm.s32 $0xFFFFFFFF;
	p2 =	slt.u32 s8, $0xFFFFF086  }
0x1c: {  	p1 =	slt.u32 s9, $0xF7A;
	s5 =	simm.s32 @!p2 $0x0  }
0x1d: {  	s5 =	simm.s32 @p1 $0x1;
	p0 =	seq.s32 s7, s2  }
0x1e: {  	s7 =	smul.u32 @!p0 $0xF7A, s2;
	p2 =	seq.s32 @!p0 s5, $0x0  }
0x1f: {  	s9 =	smul.u32 $0xF7A, s1;
	s8 =	simm.s32 @!p0 $0x1BF5;
	p2 =	por !p2, p0  }
0x20: {  	[sflag:s8] =	ssyncset.s32 @!p0 $0xFFFFF086;
	s6 =	sadd.s32 @!p0 s3, s7;
	s7 =	simm.s32 @!p0 $0x108  }
0x21: {  	s3 =	sadd.s32 s3, s9;
	s6 =	sadd.s32 @!p0 $0x88, s6;
	s7 =	simm.s32 @p2 $0x1082  }
0x22: {  	[simem:s7], [sflag:s8] =	dma.local @!p0 [hbm:s6], $0xF7A  }
0x23: {  	s9 =	sor.u32 $0xD0000000, s2;
	s6 =	simm.s32 $0x108;
	_ =	swait.ge @!p0 [sflag:s8], $0x0  }
0x24: {  	s3 =	sadd.s32 $0x88, s3;
	s6 =	simm.s32 @!p1 $0x1082;
	[sflag:s4] =	ssyncset.s32 $0xFFFFF086  }
0x25: {  	[simem:s6], [sflag:s4] =	dma.local [hbm:s3], $0xF7A  }
0x26: {  	[smem:$0x3F9A] =	sst s1;
	(tag) =	ssettag s2;
	_ =	strace s9  }
0x27: {  	s1 =	sld [smem:$0x3FAA]  }
0x28: {  	s2 =	sld [smem:$0x3FAB]  }
0x29: {  	s4 =	sld [smem:$0x3FAD]  }
0x2a: {  	p0 =	seq.s32 s5, $0x0;
	s5 =	sld [smem:$0x3FAE]  }
0x2b: {  	s6 =	sld [smem:$0x3FAF]  }
0x2c: {  	s7 =	sld [smem:$0x3FB0]  }
0x2d: {  	s3 =	simm.s32 $0x108;
	s8 =	sld [smem:$0x3FB1]  }
0x2e: {  	s3 =	simm.s32 @!p0 $0x1082;
	s9 =	sld [smem:$0x3FB2]  }
0x2f: {  	lr =	sadd.s32 s0, s3;
	s0 =	sld [smem:$0x3FA9]  }
0x30: {  	s3 =	sld [smem:$0x3FAC]  }
0x31: {  	[smem:$0x3FB5] =	sst s10  }
0x32: {  	s10 =	sld [smem:$0x3FB3];
	_ =	sdelay $0x3  }
0x33: {  	p0 =	seq.s32 s10, $0x1;
	s10 =	sld [smem:$0x3FB5];
	_ =	sdelay $0x3  }
0x34: {  	[smem:$0x3FB5] =	sst s10  }
0x35: {  	s10 =	sld [smem:$0x3FB4];
	_ =	sdelay $0x3  }
0x36: {  	p1 =	seq.s32 s10, $0x1;
	s10 =	sld [smem:$0x3FB5];
	_ =	sdelay $0x3  }
0x37: {  	[smem:$0x3FB5] =	sst s10  }
0x38: {  	s10 =	sld [smem:$0x3FB6]  }
0x39: {  	_ = 	snop;
	(pc) =	sbr.ind lr, $3  }
0x3a: {  	_ = 	snop  }
0x3b: {  	_ = 	snop  }
0x3c: {  	p2 =	seq.s32 s10, $0x1;
	s10 =	sld [smem:$0x3FB5]  }
0x3d: {  	_ =	shalt  }
0x3e: {  	_ =	shalt  }
0x3f: {  	_ =	shalt  }
0x40: {  	_ =	shalt  }
0x41: {  	_ =	shalt  }
0x42: {  	_ =	shalt  }
0x43: {  	_ =	shalt  }
0x44: {  	_ =	shalt  }
0x45: {  	_ =	shalt  }
0x46: {  	_ =	shalt  }
0x47: {  	_ =	shalt  }
0x48: {  	_ =	shalt  }
0x49: {  	_ =	shalt  }
0x4a: {  	_ =	shalt  }
0x4b: {  	_ =	shalt  }
0x4c: {  	_ =	shalt  }
0x4d: {  	_ =	shalt  }
0x4e: {  	_ =	shalt  }
0x4f: {  	_ =	shalt  }
0x50: {  	_ =	shalt  }
0x51: {  	_ =	shalt  }
0x52: {  	_ =	shalt  }
0x53: {  	_ =	shalt  }
0x54: {  	_ =	shalt  }
0x55: {  	_ =	shalt  }
0x56: {  	_ =	shalt  }
0x57: {  	_ =	shalt  }
0x58: {  	_ =	shalt  }
0x59: {  	_ =	shalt  }
0x5a: {  	_ =	shalt  }
0x5b: {  	_ =	shalt  }
0x5c: {  	_ =	shalt  }
0x5d: {  	_ =	shalt  }
0x5e: {  	_ =	shalt  }
0x5f: {  	_ =	shalt  }
0x60: {  	_ =	shalt  }
0x61: {  	_ =	shalt  }
0x62: {  	_ =	shalt  }
0x63: {  	_ =	shalt  }
0x64: {  	_ =	shalt  }
0x65: {  	_ =	shalt  }
0x66: {  	_ =	shalt  }
0x67: {  	_ =	shalt  }
0x68: {  	_ =	shalt  }
0x69: {  	_ =	shalt  }
0x6a: {  	_ =	shalt  }
0x6b: {  	_ =	shalt  }
0x6c: {  	_ =	shalt  }
0x6d: {  	_ =	shalt  }
0x6e: {  	_ =	shalt  }
0x6f: {  	_ =	shalt  }
0x70: {  	_ =	shalt  }
0x71: {  	_ =	shalt  }
0x72: {  	_ =	shalt  }
0x73: {  	_ =	shalt  }
0x74: {  	_ =	shalt  }
0x75: {  	_ =	shalt  }
0x76: {  	_ =	shalt  }
0x77: {  	_ =	shalt  }
0x78: {  	_ =	shalt  }
0x79: {  	_ =	shalt  }
0x7a: {  	_ =	shalt  }
0x7b: {  	_ =	shalt  }
0x7c: {  	_ =	shalt  }
0x7d: {  	_ =	shalt  }
0x7e: {  	_ =	shalt  }
0x7f: {  	_ =	shalt  }
0x80: {  	_ =	shalt  }
0x81: {  	_ =	shalt  }
0x82: {  	_ =	shalt  }
0x83: {  	_ =	shalt  }
0x84: {  	_ =	shalt  }
0x85: {  	_ =	shalt  }
0x86: {  	_ =	shalt  }
0x87: {  	_ =	shalt  }
.Lfunc_end0:
.L_simem_size_0:
called_computation_lowered:
.L_overlay_start_0:
0x88: {  	s2 =	sld [smem:$0x3FD9]  }
0x89: {  	s3 =	sld [smem:$0x3FFE];
	_ =	sdelay $0x1  }
0x8a: {  	s1 =	srdreg.scid  }
0x8b: {  	s0 =	sand.u32 $0x1, s1  }
0x8c: {  	s17 =	sshll.u32 s0, $0xA;
	s2 =	sadd.s32 s3, s2  }
0x8d: {  	s2 =	sadd.s32 s2, s17  }
0x8e: {  	[smem:$0x3FC1] =	sst s2  }
0x8f: {  	_ = 	snop  }
0x90: {  	s2 =	sld [smem:$0x3FC9];
	(tm) =	ssettm $0x1  }
0x91: {  	s18 =	sld [smem:$0x3FFB];
	_ =	sdelay $0x3  }
0x92: {  	_ =	strace s18  }
0x93: {  	s3 =	sld [smem:$0x3FFC];
	_ =	sdelay $0x3  }
0x94: {  	_ =	strace s3  }
0x95: {  	s3 =	sld [smem:$0x3FFD];
	_ =	sdelay $0x3  }
0x96: {  	_ =	strace s3  }
0x97: {  	_ =	strace $0x8FFFFFFF  }
0x98: {  	s19 =	sld [smem:$0x3FDB];
	_ =	sdelay $0x1  }
0x99: {  	s4 =	simm.s32 $_scs_section_size  }
0x9a: {  	s5 =	simm.s32 $_size__tile_overlayer_lowered;
	s6 =	simm.s32 $_tile_overlayer_lowered  }
0x9b: {  	s22 =	simm.s32 $0x1BFF;
	s21 =	sshll.u32 s6, $0x1;
	s3 =	sadd.s32 s4, s19  }
0x9c: {  	s7 =	simm.s32 $0x0;
	s20 =	sshll.u32 s5, $0x1;
	s5 =	sadd.s32 s21, s3  }
0x9d: {  	[timem:s7], [sflag:s22] =	dma.local [hbm:s5], s20  }
0x9e: {  	_ =	swait.ge [sflag:s22], s20  }
0x9f: {  	s4 =	ssub.s32 $0x0, s20;
	[sflag:s22] =	ssyncset.done $0x0  }
0xa0: {  	[sflag:s22] =	ssyncadd.s32 s4;
	_ =	sdelay $0x1  }
0xa1: {  	s23 =	simm.s32 $0x1B8B  }
0xa2: {  	_ =	swait.ge [sflag:s23], $0x1  }
0xa3: {  	[sflag:s23] =	ssyncset.done $0x0  }
0xa4: {  	s25 =	simm.s32 $0x1B8E;
	s24 =	sld [smem:$0x3FFE];
	[sflag:s23] =	ssyncadd.s32 $0xFFFFFFFF  }
0xa5: {  	s26 =	simm.s32 $execute0_lowered;
	[smem:$0x3FD2] =	sst s25  }
0xa6: {  	s5 =	sshll.u32 s26, $0x1;
	_ =	strace $0x80000046;
	[dreg:$0x1] =	wrdreg $0xFFFFFFFF  }
0xa7: {  	s28 =	simm.s32 $_size_execute0_lowered;
	s3 =	sadd.s32 s3, s5;
	[dreg:$0x0] =	wrdreg $0x0  }
0xa8: {  	s5 =	sshll.u32 s28, $0x1;
	[dreg:$0x2] =	wrdreg s3  }
0xa9: {  	[dreg:$0x3] =	wrdreg s5  }
0xaa: {  	[dreg:$0x4] =	wrdreg $0xC0  }
0xab: {  	_ =	task [dreg:s7], $0x5FFFF  }
0xac: {  	[dreg:$0x1] =	wrdreg $0xFFFFFFFF  }
0xad: {  	[dreg:$0x0] =	wrdreg $0x60  }
0xae: {  	[dreg:$0x2] =	wrdreg s2  }
0xaf: {  	[dreg:$0x3] =	wrdreg s24  }
0xb0: {  	[dreg:$0x4] =	wrdreg $0x1AC700  }
0xb1: {  	[dreg:$0x5] =	wrdreg $0x1EC700  }
0xb2: {  	[dreg:$0x6] =	wrdreg $0x9  }
0xb3: {  	_ =	task.clear_ibuf [dreg:s7], $0x7FFFF;
	_ =	strace $0x90000046  }
0xb4: {  	s29 =	simm.s32 $0x9;
	_ =	strace $0x80000048  }
0xb5: {  	_ =	swait.ge [sflag:s29], $0x1  }
0xb6: {  	[sflag:s29] =	ssyncadd.s32 $0xFFFFFFFF  }
0xb7: {  	_ =	strace $0x90000048  }
0xb8: {  	_ =	sfence  }
0xb9: {  	s30 =	sld [smem:$0x0];
	_ =	sdelay $0x2  }
0xba: {  	s31 =	sshll.u32 s1, $0xD;
	s1 =	sshrl.u32 s1, $0x2  }
0xbb: {  	s3 =	sand.u32 $0x4000, s31;
	s1 =	sadd.s32 s1, s30  }
0xbc: {  	s0 =	sor.u32 s3, s0;
	s1 =	sshll.u32 s1, $0x11  }
0xbd: {  	s0 =	sor.u32 s1, s0  }
0xbe: {  	s0 =	sadd.s32 $0x8F2B, s0  }
0xbf: {  	[sflag:s0] =	ssyncadd.remote.s32 $0x1  }
0xc0: {  	_ =	sfence.sel $0xFFFF  }
0xc1: {  	[dreg:$0x0] =	wrdreg $0xFFFFFFFF;
	(pc) =	sbr.abs _section_cstart, $3  }
0xc2: {  	[dreg:$0x1] =	wrdreg $0xFFFFFFFF  }
0xc3: {  	_ =	task.clear_ibuf [dreg:s7], $0x2FFFF;
	_ =	strace $0x9FFFFFFF  }
0xc4: {  	(tm) =	ssettm $0x7FFFFFFF  }
0xc5: {  	_ =	shalt  }
tec
execute0_lowered:
.L_overlay_start_1:
0x0: {  	(tag) =	ssettag $0x1  }
0x1: {  	s0 =	rddreg [dreg:$0x0]  }
0x2: {  	s1 =	rddreg [dreg:$0x1]  }
0x3: {  	s2 =	rddreg [dreg:$0x2];
	s4 =	srdreg.scid  }
0x4: {  	s16 =	stileid.u32;
	s3 =	rddreg [dreg:$0x3];
	s28 =	simm.s32 $0x15770  }
0x5: {  	s29 =	simm.s32 $0x2;
	s30 =	simm.s32 $0x8F70;
	s31 =	simm.s32 $0x6  }
0x6: {  	s5 =	sand.u32 $0x1, s4;
	s6 =	sshll.u32 s16, $0x1;
	s4 =	simm.s32 $0x0  }
0x7: {  	s21 =	smul.u32 $0xFA000, s16;
	s6 =	sor.u32 s5, s6;
	s9 =	sshll.u32 s5, $0x12  }
0x8: {  	s12 =	sshll.u32 s5, $0xE;
	s17 =	ssub.s32 $0x2, s5;
	s5 =	smul.u32 $0x7D000, s5  }
0x9: {  	s8 =	sshll.u32 s16, $0xE;
	[smem:$0x7FF] =	sst s4;
	s7 =	smul.u32 $0xFA, s6  }
0xa: {  	s11 =	sshll.u32 s16, $0xA;
	_ =	strace $0x80000047;
	s10 =	smul.u32 $0x1F4, s6  }
0xb: {  	s9 =	sor.u32 s8, s9;
	s15 =	sor.u32 s11, s12;
	s18 =	smul.u32 $0x7D000, s6  }
0xc: {  	s19 =	sshrl.u32 s17, $0x1;
	s6 =	smul.u32 $0xFA00, s6;
	s9 =	sshrl.u32 s9, $0x3  }
0xd: {  	s5 =	sadd.s32 s5, s21;
	s21 =	simm.s32 $0xB;
	s7 =	sadd.s32 s7, s1  }
0xe: {  	s13 =	sadd.s32 s10, s1;
	s14 =	sadd.s32 s9, s1;
	s9 =	sshrl.u32 s15, $0x3  }
0xf: {  	s15 =	ssub.s32 s17, s19;
	s20 =	sshrl.u32 s18, $0x3;
	s6 =	sadd.s32 s0, s6  }
0x10: {  	s10 =	sadd.s32 s11, s3;
	s5 =	sadd.s32 $0x14000, s5;
	s17 =	simm.s32 $0x1770  }
0x11: {  	s18 =	simm.s32 $0x6770;
	s1 =	sadd.s32 s9, s1;
	[dreg:$0x5] =	wrdreg s6  }
0x12: {  	s22 =	sadd.s32 s0, s20;
	s24 =	sadd.s32 $0x1600, s7;
	s25 =	sadd.s32 $0x3600, s13  }
0x13: {  	s13 =	sadd.s32 $0x7600, s14;
	s26 =	sshrl.u32 s5, $0x3;
	s15 =	smax.u32 s15, $0x1  }
0x14: {  	s9 =	sadd.s32 $0xA00, s22;
	s23 =	sadd.s32 $0x1400, s22;
	[dreg:$0x9] =	wrdreg s24  }
.Ltmp0:
0x15: {  	s6 =	sadd.s32 $0x1E00, s22;
	[dreg:$0xa] =	wrdreg s25;
	(pc) =	sbr.rel .LBB2_1-.Ltmp0, $4  }
0x16: {  	s14 =	sadd.s32 $0x17600, s1;
	s22 =	sadd.s32 s26, s0;
	s24 =	simm.s32 $0x50  }
0x17: {  	s25 =	simm.s32 $0x3F70;
	s26 =	simm.s32 $0x1A770;
	[dreg:$0x6] =	wrdreg s9  }
0x18: {  	s1 =	simm.s32 $0xA;
	s0 =	simm.s32 $0x0;
	[dreg:$0x7] =	wrdreg s23  }
0x19: {  	v0 =	vimm.f32 $0.0e+00;
	v1 =	vimm.f32 $1.000000000e+00;
	[dreg:$0x8] =	wrdreg s6;
	s9 =	sadd.s32 s8, s2;
	s23 =	simm.s32 $0x1  }
.LBB2_14:
0x1a: {  	_ =	swait.ge [sflag:s1], $0x5000  }
0x1b: {  	[sflag:s1] =	ssyncset.done $0x0  }
0x1c: {  	[sflag:s1] =	ssyncadd.s32 $0xFFFFB000  }
0x1d: {  	_ =	swait.ge [sflag:s1], $0x500  }
0x1e: {  	s5 =	stileid.u32;
	[sflag:s1] =	ssyncset.done $0x0  }
0x1f: {  	s5 =	sshll.u32 s5, $0x6;
	[sflag:s1] =	ssyncadd.s32 $0xFFFFFB00  }
0x20: {  	s6 =	sshrl.u32 s9, $0x3;
	s5 =	sor.u32 $0x1C0B, s5;
	[bflag:$0x0] =	sbarrier.arrive $0xFFFF  }
0x21: {  	[hbm:s13], [sflag:s5] =	dma.local [spmem:s6], $0x800  }
0x22: {  	s0 =	sadd.s32 $0x1, s0;
	_ =	swait.ge [sflag:s21], $0x800  }
0x23: {  	p0 =	sne.s32 s0, s15;
	[sflag:s21] =	ssyncset.done $0x0  }
.Ltmp1:
0x24: {  	s20 =	sshrl.u32 s10, $0x3;
	[sflag:s21] =	ssyncadd.s32 $0xFFFFF800;
	(pc) =	sbr.rel @!p0 .LBB2_15-.Ltmp1, $4  }
0x25: {  	[hbm:s14], [sflag:s5] =	dma.local [spmem:s20], $0x80  }
0x26: {  	_ =	swait.ge [sflag:s21], $0x80  }
0x27: {  	[sflag:s21] =	ssyncset.done $0x0  }
0x28: {  	[sflag:s21] =	ssyncadd.s32 $0xFFFFFF80  }
.LBB2_1:
0x29: {  	s5 =	rddreg [dreg:$0x5]  }
0x2a: {  	s12 =	rddreg [dreg:$0x6]  }
0x2b: {  	[tilespmem:s17], [sflag:$0x1] =	stream.linear.gather [hbm4b:s5+s4], $0x5000, $0x38;
	[tilespmem:$0x1F070] =	vst v63  }
0x2c: {  	s16 =	rddreg [dreg:$0x7]  }
0x2d: {  	[tilespmem:s18], [sflag:$0x2] =	stream.linear.gather [hbm4b:s12+s4], $0x5000, $0x38;
	[tilespmem:$0x1F070] =	vst v63  }
0x2e: {  	s6 =	simm.s32 $0xB770;
	s19 =	rddreg [dreg:$0x8]  }
0x2f: {  	[tilespmem:s6], [sflag:$0x3] =	stream.linear.gather [hbm4b:s16+s4], $0x5000, $0x38;
	[tilespmem:$0x1F070] =	vst v63  }
0x30: {  	s20 =	simm.s32 $0x10770;
	s5 =	simm.s32 $0x0;
	s6 =	simm.s32 $0x200  }
0x31: {  	[tilespmem:s20], [sflag:$0x4] =	stream.linear.gather [hbm4b:s19+s4], $0x5000, $0x38;
	[tilespmem:$0x1F070] =	vst v63  }
.LBB2_2:
0x32: {  	p0 =	sne.s32 s6, $0xFE00;
	[tilespmem:s5+$0x157E0] =	vst v0  }
0x33: {  	[tilespmem:s5+$0x15770] =	vst v0  }
0x34: {  	[tilespmem:s5+$0x15780] =	vst v0  }
.Ltmp2:
0x35: {  	[tilespmem:s5+$0x15790] =	vst v0;
	(pc) =	sbr.rel @p0 .LBB2_2-.Ltmp2, $4  }
0x36: {  	[tilespmem:s5+$0x157A0] =	vst v0  }
0x37: {  	[tilespmem:s5+$0x157B0] =	vst v0  }
0x38: {  	[tilespmem:s5+$0x157C0] =	vst v0  }
0x39: {  	[tilespmem:s5+$0x157D0] =	vst v0;
	s5 =	sshra.s32 s6, $0x2;
	s6 =	sadd.s32 $0x200, s6  }
0x3a: {  	[tilespmem:s5+$0x157E0] =	vst v0  }
0x3b: {  	[tilespmem:s5+$0x15770] =	vst v0  }
0x3c: {  	[tilespmem:s5+$0x15780] =	vst v0  }
0x3d: {  	[tilespmem:s5+$0x15790] =	vst v0  }
0x3e: {  	[tilespmem:s5+$0x157A0] =	vst v0  }
0x3f: {  	[tilespmem:s5+$0x157B0] =	vst v0  }
0x40: {  	[tilespmem:s5+$0x157C0] =	vst v0  }
0x41: {  	[tilespmem:s5+$0x157D0] =	vst v0;
	s5 =	simm.s32 $0x15770  }
0x42: {  	[spmem:s9] =	stream.linear.scatter [tilespmem:s5], [sflag:$0xB], $0x4000, $0x38;
	[tilespmem:$0x1F070] =	vst v63  }
0x43: {  	_ =	swait.ge [sflag:s21], $0x4000  }
0x44: {  	[sflag:s21] =	ssyncset.done $0x0  }
0x45: {  	s6 =	sadd.s32 $0x0, s10;
	[sflag:s21] =	ssyncadd.s32 $0xFFFFC000  }
0x46: {  	[spmem:s6] =	stream.linear.scatter [tilespmem:s5], [sflag:$0xB], $0x10, $0x38;
	[tilespmem:$0x1F070] =	vst v63  }
0x47: {  	s6 =	simm.s32 $0x40  }
.LBB2_4:
0x48: {  	p0 =	sne.s32 s6, $0xFC0  }
.Ltmp3:
0x49: {  	_ = 	snop;
	(pc) =	sbr.rel @p0 .LBB2_4-.Ltmp3, $4  }
0x4a: {  	_ = 	snop  }
0x4b: {  	s7 =	sshra.s32 s6, $0x2;
	s6 =	sadd.s32 $0x40, s6  }
0x4c: {  	s5 =	sadd.s32 $0x80, s5;
	s7 =	sadd.s32 s7, s10  }
0x4d: {  	[spmem:s7] =	stream.linear.scatter [tilespmem:s5], [sflag:$0xB], $0x10, $0x38;
	[tilespmem:$0x1F070] =	vst v63  }
0x4e: {  	_ =	swait.ge [sflag:s21], $0x400  }
0x4f: {  	[sflag:s21] =	ssyncset.done $0x0  }
0x50: {  	s5 =	simm.s32 $0x40;
	s6 =	simm.s32 $0x0;
	[sflag:s21] =	ssyncadd.s32 $0xFFFFFC00  }
.LBB2_6:
0x51: {  	p0 =	sne.s32 s5, $0x13C0;
	[tilespmem:s6+$0x1A770] =	vst v1;
	s6 =	smov.u32 s5;
	s5 =	sadd.s32 $0x40, s5  }
.Ltmp4:
0x52: {  	(pc) =	sbr.rel @p0 .LBB2_6-.Ltmp4, $2  }
0x53: {  	_ =	sdelay $0x2  }
0x54: {  	s6 =	sshra.s32 s6, $0x2  }
0x55: {  	[tilespmem:s6+$0x1A770] =	vst v1;
	s19 =	simm.s32 $0x0;
	s5 =	rddreg [dreg:$0x9]  }
0x56: {  	[tilespmem:s19], [sflag:$0xB] =	stream.linear.gather [hbm4b:s5+s19], $0x7D0, $0x38;
	[tilespmem:$0x1F070] =	vst v63  }
0x57: {  	_ =	swait.ge [sflag:s21], $0x7D0  }
0x58: {  	[sflag:s21] =	ssyncset.done $0x0  }
0x59: {  	s20 =	simm.s32 $0x7D0;
	s16 =	rddreg [dreg:$0xa];
	[sflag:s21] =	ssyncadd.s32 $0xFFFFF830  }
0x5a: {  	[tilespmem:s20], [sflag:$0xB] =	stream.linear.gather [hbm4b:s16+s19], $0xFA0, $0x38;
	[tilespmem:$0x1F070] =	vst v63  }
.Ltmp5:
0x5b: {  	_ =	swait.ge [sflag:s21], $0xFA0;
	(pc) =	sbr.rel .LBB2_8-.Ltmp5, $4  }
0x5c: {  	[sflag:s21] =	ssyncset.done $0x0  }
0x5d: {  	[sflag:s21] =	ssyncadd.s32 $0xFFFFF060  }
0x5e: {  	[bflag:$0x0] =	sbarrier.arrive $0xFFFF  }
0x5f: {  	s5 =	simm.s32 $0x0;
	s20 =	simm.s32 $0x0;
	s16 =	smov.u32 s22  }
.LBB2_16:
0x60: {  	p0 =	seq.s32 s8, $0x2  }
0x61: {  	s11 =	simm.s32 @p0 $0x3  }
0x62: {  	_ =	swait.ge @p0 [sflag:s11], $0x5000  }
0x63: {  	[sflag:s11] =	ssyncset.done @p0 $0x0  }
0x64: {  	s12 =	simm.s32 @p0 $0xB770;
	[sflag:s11] =	ssyncadd.s32 @p0 $0xFFFFB000;
	s11 =	simm.s32 @p0 $0x50  }
0x65: {  	[spmem:s2] =	stream.indirect.scatter.add.f32 @p0 [tilespmem:s12], [sflag:$0x8], $0x80, s7, s11, $0xb8;
	[tilespmem:$0x1F070] =	vst v63  }
0x66: {  	s12 =	simm.s32 @p0 $0xDF70  }
0x67: {  	[spmem:s2] =	stream.indirect.scatter.add.f32 @p0 [tilespmem:s12], [sflag:$0x8], $0x80, s6, s11, $0xb8;
	[tilespmem:$0x1F070] =	vst v63  }
0x68: {  	s12 =	simm.s32 @p0 $0x1A770  }
0x69: {  	[spmem:s3] =	stream.indirect.scatter.add.f32 @p0 [tilespmem:s12], [sflag:$0x8], $0x10, s19, s11, $0xb8;
	[tilespmem:$0x1F070] =	vst v63  }
0x6a: {  	s11 =	simm.s32 @p0 $0x7  }
0x6b: {  	_ =	swait.ge @p0 [sflag:s11], $0x5000  }
0x6c: {  	[sflag:s11] =	ssyncset.done @p0 $0x0  }
0x6d: {  	[sflag:s11] =	ssyncadd.s32 @p0 $0xFFFFB000  }
0x6e: {  	p1 =	sgt.u32 @p0 s5, $0x14;
	_ =	swait.ge @p0 [sflag:s11], $0x500  }
0x6f: {  	p1 =	por p1, !p0;
	[sflag:s11] =	ssyncset.done @p0 $0x0  }
0x70: {  	s12 =	simm.s32 @!p1 $0x6770;
	[sflag:s11] =	ssyncadd.s32 @p0 $0xFFFFFB00;
	s11 =	simm.s32 @!p1 $0x0  }
0x71: {  	[tilespmem:s12], [sflag:$0x2] =	stream.linear.gather @!p1 [hbm4b:s16+s11], $0x5000, $0x38;
	[tilespmem:$0x1F070] =	vst v63  }
0x72: {  	p1 =	seq.s32 @!p0 s8, $0x3  }
0x73: {  	p2 =	por !p1, p0  }
0x74: {  	s8 =	simm.s32 @!p2 $0x4  }
0x75: {  	_ =	swait.ge @!p2 [sflag:s8], $0x5000  }
0x76: {  	[sflag:s8] =	ssyncset.done @!p2 $0x0  }
0x77: {  	s11 =	simm.s32 @!p2 $0x10770;
	[sflag:s8] =	ssyncadd.s32 @!p2 $0xFFFFB000;
	s8 =	simm.s32 @!p2 $0x50  }
0x78: {  	[spmem:s2] =	stream.indirect.scatter.add.f32 @!p2 [tilespmem:s11], [sflag:$0x9], $0x80, s7, s8, $0xb8;
	[tilespmem:$0x1F070] =	vst v63  }
0x79: {  	s11 =	simm.s32 @!p2 $0x12F70  }
0x7a: {  	[spmem:s2] =	stream.indirect.scatter.add.f32 @!p2 [tilespmem:s11], [sflag:$0x9], $0x80, s6, s8, $0xb8;
	[tilespmem:$0x1F070] =	vst v63  }
0x7b: {  	s11 =	simm.s32 @!p2 $0x1A770  }
0x7c: {  	[spmem:s3] =	stream.indirect.scatter.add.f32 @!p2 [tilespmem:s11], [sflag:$0x9], $0x10, s19, s8, $0xb8;
	[tilespmem:$0x1F070] =	vst v63  }
0x7d: {  	s8 =	simm.s32 @!p2 $0x8  }
0x7e: {  	_ =	swait.ge @!p2 [sflag:s8], $0x5000  }
0x7f: {  	p3 =	sgt.u32 @!p2 s5, $0x14;
	[sflag:s8] =	ssyncset.done @!p2 $0x0  }
0x80: {  	p3 =	por @!p0 p3, !p1;
	[sflag:s8] =	ssyncadd.s32 @!p2 $0xFFFFB000  }
0x81: {  	p3 =	por p3, p0;
	_ =	swait.ge @!p2 [sflag:s8], $0x500  }
0x82: {  	s11 =	simm.s32 @!p3 $0xB770;
	[sflag:s8] =	ssyncset.done @!p2 $0x0  }
0x83: {  	[sflag:s8] =	ssyncadd.s32 @!p2 $0xFFFFFB00;
	s8 =	simm.s32 @!p3 $0x0;
	p2 =	por p1, p0  }
0x84: {  	[tilespmem:s11], [sflag:$0x3] =	stream.linear.gather @!p3 [hbm4b:s16+s8], $0x5000, $0x38;
	[tilespmem:$0x1F070] =	vst v63  }
0x85: {  	s8 =	simm.s32 @!p2 $0x5  }
0x86: {  	_ =	swait.ge @!p2 [sflag:s8], $0x5000  }
0x87: {  	[sflag:s8] =	ssyncset.done @!p2 $0x0  }
0x88: {  	s11 =	simm.s32 @!p2 $0x15770;
	[sflag:s8] =	ssyncadd.s32 @!p2 $0xFFFFB000;
	s8 =	simm.s32 @!p2 $0x50  }
0x89: {  	[spmem:s2] =	stream.indirect.scatter.add.f32 @!p2 [tilespmem:s11], [sflag:$0xA], $0x80, s7, s8, $0xb8;
	[tilespmem:$0x1F070] =	vst v63  }
0x8a: {  	s7 =	simm.s32 @!p2 $0x17F70  }
0x8b: {  	[spmem:s2] =	stream.indirect.scatter.add.f32 @!p2 [tilespmem:s7], [sflag:$0xA], $0x80, s6, s8, $0xb8;
	[tilespmem:$0x1F070] =	vst v63  }
0x8c: {  	s6 =	simm.s32 @!p2 $0x1A770  }
0x8d: {  	[spmem:s3] =	stream.indirect.scatter.add.f32 @!p2 [tilespmem:s6], [sflag:$0xA], $0x10, s19, s8, $0xb8;
	[tilespmem:$0x1F070] =	vst v63  }
0x8e: {  	s6 =	simm.s32 @!p2 $0x9  }
0x8f: {  	_ =	swait.ge @!p2 [sflag:s6], $0x5000  }
0x90: {  	[sflag:s6] =	ssyncset.done @!p2 $0x0  }
0x91: {  	p3 =	sgt.u32 @!p2 s5, $0x14;
	[sflag:s6] =	ssyncadd.s32 @!p2 $0xFFFFB000  }
0x92: {  	p1 =	por @!p0 p3, p1;
	_ =	swait.ge @!p2 [sflag:s6], $0x500  }
0x93: {  	p0 =	por p1, p0;
	[sflag:s6] =	ssyncset.done @!p2 $0x0  }
0x94: {  	s7 =	simm.s32 @!p0 $0x10770;
	[sflag:s6] =	ssyncadd.s32 @!p2 $0xFFFFFB00;
	s6 =	simm.s32 @!p0 $0x0  }
0x95: {  	[tilespmem:s7], [sflag:$0x4] =	stream.linear.gather @!p0 [hbm4b:s16+s6], $0x5000, $0x38;
	[tilespmem:$0x1F070] =	vst v63  }
.LBB2_13:
0x96: {  	s20 =	sadd.s32 $0x280, s20  }
0x97: {  	p0 =	sne.s32 s20, $0x3E80  }
.Ltmp6:
0x98: {  	_ = 	snop;
	(pc) =	sbr.rel @!p0 .LBB2_14-.Ltmp6, $2  }
0x99: {  	_ =	sdelay $0x2  }
0x9a: {  	s5 =	sadd.s32 $0x1, s5;
	s16 =	sadd.s32 $0xA00, s16;
	s19 =	sadd.s32 $0x50, s19  }
.LBB2_8:
0x9b: {  	s6 =	smul.u32 $0xCD, s5;
	_ =	sdelay $0x1  }
0x9c: {  	s6 =	sshrl.u32 s6, $0xA  }
0x9d: {  	s6 =	sand.u32 $0x3F, s6  }
0x9e: {  	s6 =	smul.u32 $0x5, s6;
	_ =	sdelay $0x1  }
0x9f: {  	s6 =	ssub.s32 s5, s6  }
0xa0: {  	s8 =	sand.u32 $0xFF, s6  }
0xa1: {  	p0 =	sgt.s32 s8, $0x1  }
.Ltmp7:
0xa2: {  	_ = 	snop;
	(pc) =	sbr.rel @p0 .LBB2_16-.Ltmp7, $3  }
0xa3: {  	_ =	sdelay $0x1  }
0xa4: {  	s12 =	sshra.s32 s20, $0x2  }
0xa5: {  	s7 =	sadd.s32 $0x7D0, s12;
	s6 =	sadd.s32 $0x820, s12  }
0xa6: {  	p0 =	seq.s32 s8, $0x0  }
.Ltmp8:
0xa7: {  	_ = 	snop;
	(pc) =	sbr.rel @!p0 .LBB2_12-.Ltmp8, $1  }
0xa8: {  	_ =	sdelay $0x3  }
0xa9: {  	_ =	swait.ge [sflag:s23], $0x5000  }
0xaa: {  	[sflag:s23] =	ssyncset.done $0x0  }
0xab: {  	[sflag:s23] =	ssyncadd.s32 $0xFFFFB000  }
0xac: {  	[spmem:s2] =	stream.indirect.scatter.add.f32 [tilespmem:s17], [sflag:$0x6], $0x80, s7, s24, $0xb8;
	[tilespmem:$0x1F070] =	vst v63  }
0xad: {  	p0 =	seq.s32 s20, $0x0  }
0xae: {  	[spmem:s2] =	stream.indirect.scatter.add.f32 [tilespmem:s25], [sflag:$0x6], $0x80, s6, s24, $0xb8;
	[tilespmem:$0x1F070] =	vst v63  }
0xaf: {  	p1 =	sgt.u32 @!p0 s5, $0x14;
	s6 =	simm.s32 @!p0 $0xA  }
0xb0: {  	[spmem:s3] =	stream.indirect.scatter.add.f32 [tilespmem:s26], [sflag:$0x6], $0x10, s19, s24, $0xb8;
	[tilespmem:$0x1F070] =	vst v63  }
0xb1: {  	p1 =	por p0, !p1;
	_ =	swait.ge @!p0 [sflag:s6], $0x5000  }
.Ltmp9:
0xb2: {  	[sflag:s6] =	ssyncset.done @!p0 $0x0;
	(pc) =	sbr.rel @!p1 .LBB2_13-.Ltmp9, $4  }
0xb3: {  	[sflag:s6] =	ssyncadd.s32 @!p0 $0xFFFFB000  }
0xb4: {  	_ =	swait.ge @!p0 [sflag:s6], $0x500  }
0xb5: {  	[sflag:s6] =	ssyncset.done @!p0 $0x0  }
0xb6: {  	[sflag:s6] =	ssyncadd.s32 @!p0 $0xFFFFFB00  }
.Ltmp10:
0xb7: {  	(pc) =	sbr.rel .LBB2_13-.Ltmp10, $2  }
0xb8: {  	_ =	sdelay $0x2  }
0xb9: {  	[tilespmem:s28], [sflag:$0x5] =	stream.linear.gather [hbm4b:s16+s4], $0x5000, $0x38;
	[tilespmem:$0x1F070] =	vst v63  }
.LBB2_12:
0xba: {  	_ =	swait.ge [sflag:s29], $0x5000  }
0xbb: {  	[sflag:s29] =	ssyncset.done $0x0  }
0xbc: {  	[sflag:s29] =	ssyncadd.s32 $0xFFFFB000  }
0xbd: {  	[spmem:s2] =	stream.indirect.scatter.add.f32 [tilespmem:s18], [sflag:$0x7], $0x80, s7, s24, $0xb8;
	[tilespmem:$0x1F070] =	vst v63  }
0xbe: {  	_ = 	snop  }
0xbf: {  	[spmem:s2] =	stream.indirect.scatter.add.f32 [tilespmem:s30], [sflag:$0x7], $0x80, s6, s24, $0xb8;
	[tilespmem:$0x1F070] =	vst v63  }
0xc0: {  	_ = 	snop  }
0xc1: {  	[spmem:s3] =	stream.indirect.scatter.add.f32 [tilespmem:s26], [sflag:$0x7], $0x10, s19, s24, $0xb8;
	[tilespmem:$0x1F070] =	vst v63  }
0xc2: {  	_ =	swait.ge [sflag:s31], $0x5000  }
0xc3: {  	[sflag:s31] =	ssyncset.done $0x0  }
.Ltmp11:
0xc4: {  	[sflag:s31] =	ssyncadd.s32 $0xFFFFB000;
	(pc) =	sbr.rel .LBB2_13-.Ltmp11, $4  }
0xc5: {  	_ =	swait.ge [sflag:s31], $0x500  }
0xc6: {  	p0 =	sgt.u32 s5, $0x14;
	[sflag:s31] =	ssyncset.done $0x0  }
0xc7: {  	s7 =	simm.s32 @!p0 $0x1770;
	s6 =	simm.s32 @!p0 $0x0;
	[sflag:s31] =	ssyncadd.s32 $0xFFFFFB00  }
0xc8: {  	[tilespmem:s7], [sflag:$0x1] =	stream.linear.gather @!p0 [hbm4b:s16+s6], $0x5000, $0x38;
	[tilespmem:$0x1F070] =	vst v63  }
.LBB2_15:
0xc9: {  	_ =	sfence.sel $0x180000  }
0xca: {  	[bflag:$0x0] =	sbarrier.arrive $0xFFFF  }
0xcb: {  	_ =	strace $0x90000047  }
0xcc: {  	s0 =	stileid.u32;
	[bflag:$0x2] =	sbarrier.arrive $0xFFFF  }
0xcd: {  	p0 =	sne.s32 s0, $0x0;
	s0 =	rddreg [dreg:$0x4]  }
0xce: {  	s0 =	sadd.s32 @!p0 $0x100000, s0  }
0xcf: {  	[sflag:s0] =	ssyncadd.tile.s32 @!p0 $0x1;
	_ =	shalt  }
.Lfunc_end2:
_tile_overlayer_lowered:
.L_overlay_start_2:
0xd0: {  	(tag) =	ssettag $0x2  }
0xd1: {  	s0 =	rddreg [dreg:$0x0];
	s2 =	stileid.u32  }
0xd2: {  	s1 =	rddreg [dreg:$0x1];
	p0 =	sne.s32 s2, $0x0  }
0xd3: {  	s3 =	rddreg [dreg:$0x2];
	[bflag:$0x3] =	sbarrier.arrive $0xFFFF;
	s2 =	simm.s32 @!p0 $0x1C0B  }
0xd4: {  	[timem:s3], [sflag:s2] =	dma.local @!p0 [hbm:s0], s1  }
0xd5: {  	s0 =	simm.s32 @!p0 $0xB  }
0xd6: {  	_ =	swait.ge @!p0 [sflag:s0], s1  }
0xd7: {  	s1 =	ssub.s32 @!p0 $0x0, s1;
	[sflag:s0] =	ssyncset.done @!p0 $0x0  }
0xd8: {  	[sflag:s0] =	ssyncadd.s32 @!p0 s1  }
0xd9: {  	[bflag:$0x3] =	sbarrier.arrive $0xFFFF  }
0xda: {  	_ =	shalt  }

</sc_bundles>
